<compile_context>
chip_gen: v7x
topology: tpu7x:2x2x1
jax: 0.10.2.dev20260603
libtpu: 0.0.44.dev20260713+nightly
codegen_flags: <defaults>
</compile_context>

<pallas_src>
import functools

import jax
import jax.numpy as jnp
from jax import lax
from jax.experimental import pallas as pl
from jax.experimental.pallas import tpu as pltpu
from jax.experimental.pallas import tpu_sc as plsc

NC = 2
NS = 16
NW = NC * NS
L = 16

R = 12800
B = 4096
RPW = R // NW
RC = 8
NSTEP = RPW // RC
COLV = B // L


def _compute(buf, pbv, g):
    for r in range(RC):
        splat = pbv[pl.ds((g * RC + r) * L, L)]

        @pl.loop(0, COLV, unroll=8)
        def _(i, splat=splat, r=r):
            plsc.addupdate(buf.at[r, pl.ds(i * L, L)], splat)


def _sc_body(x_hbm, pb_hbm, out_hbm, buf0, buf1, pb_v, si0, si1, so0, so1):
    c = lax.axis_index("c")
    s = lax.axis_index("s")
    w = s * NC + c
    row0 = w * RPW

    bufs = (buf0, buf1)
    sin = (si0, si1)
    sout = (so0, so1)

    def in_cp(g, b):
        return pltpu.make_async_copy(
            x_hbm.at[pl.ds(row0 + g * RC, RC)], bufs[b], sin[b])

    def out_cp(g, b):
        return pltpu.make_async_copy(
            bufs[b], out_hbm.at[pl.ds(row0 + g * RC, RC)], sout[b])

    in_cp(0, 0).start()
    pltpu.sync_copy(pb_hbm.at[pl.ds(row0 * L, RPW * L)], pb_v)

    @pl.loop(0, NSTEP, step=2)
    def _(g0):
        for b in range(2):
            g = g0 + b

            @pl.when(g >= 1)
            def _(g=g, b=b):
                out_cp(g - 1, 1 - b).wait()

            @pl.when(g + 1 < NSTEP)
            def _(g=g, b=b):
                in_cp(g + 1, 1 - b).start()

            in_cp(g, b).wait()
            _compute(bufs[b], pb_v, g)
            out_cp(g, b).start()

    out_cp(NSTEP - 1, 1).wait()


_sc_call_cache = []


def _get_sc_call():
    if not _sc_call_cache:
        _sc_call_cache.append(functools.partial(
            pl.kernel,
            out_type=jax.ShapeDtypeStruct((R, B), jnp.float32),
            mesh=plsc.VectorSubcoreMesh(
                core_axis_name="c", subcore_axis_name="s",
                num_cores=NC, num_subcores=NS),
            scratch_types=[
                pltpu.VMEM((RC, B), jnp.float32),
                pltpu.VMEM((RC, B), jnp.float32),
                pltpu.VMEM((RPW * L,), jnp.float32),
                pltpu.SemaphoreType.DMA,
                pltpu.SemaphoreType.DMA,
                pltpu.SemaphoreType.DMA,
                pltpu.SemaphoreType.DMA,
            ],
        )(_sc_body))
    return _sc_call_cache[0]


def kernel(x, pos_table):
    Bx, n, d = x.shape
    x2 = jnp.transpose(x, (1, 2, 0)).reshape(R, B)
    posf = pos_table[:n].reshape(R)
    pb16 = jnp.repeat(posf, L)
    out2 = _get_sc_call()(x2, pb16)
    return jnp.transpose(out2.reshape(n, d, Bx), (2, 0, 1))

# --- scband reference (transcript-rebuilt; emitter-appended) ---
"""Pipeline reference for scband-positional-encoding-10273561772190 (READ-ONLY COPY).

The authoritative reference and input builder live on the scoring server;
editing this copy changes nothing except your own understanding.
"""

import jax, jax.numpy as jnp
import numpy as np

D_MODEL = 64
MAX_LEN = 256

def setup_inputs(seed: int = 0) -> dict:
    key = jax.random.key(seed)
    k1, k2 = jax.random.split(key)
    x = jax.random.normal(k1, (4096, 200, 64), dtype=jnp.float32)
    pos_table = jax.random.normal(k2, (MAX_LEN, D_MODEL), dtype=jnp.float32) * 0.02
    return {"x": x, "pos_table": pos_table}

def reference(x, pos_table):
    B, N, D = x.shape
    positions = jnp.arange(N)  # [N]
    # embedding lookup: gather rows from pos_table, broadcast over batch
    pos_emb = jnp.take(pos_table, positions, axis=0)  # [N, D]
    return x + pos_emb[None, :, :]

if __name__ == "__main__":
    import jax
    _d = setup_inputs()
    print(jax.jit(kernel)(*tuple(_d.values())))

</pallas_src>

<mosaic_0001>
#map = affine_map<(d0, d1) -> (0, 0)>
#map1 = affine_map<(d0, d1) -> (0)>
module attributes {stable_mosaic.version = 14 : i64} {
  func.func @_sc_body(%arg0: i32, %arg1: i32, %arg2: memref<12800x4096xf32, #tpu.memory_space<hbm>>, %arg3: memref<204800xf32, #tpu.memory_space<hbm>>, %arg4: memref<12800x4096xf32, #tpu.memory_space<hbm>>, %arg5: memref<8x4096xf32, #tpu.memory_space<vmem>>, %arg6: memref<8x4096xf32, #tpu.memory_space<vmem>>, %arg7: memref<6400xf32, #tpu.memory_space<vmem>>, %arg8: memref<!tpu.dma_semaphore, #tpu.memory_space<semaphore_mem>>, %arg9: memref<!tpu.dma_semaphore, #tpu.memory_space<semaphore_mem>>, %arg10: memref<!tpu.dma_semaphore, #tpu.memory_space<semaphore_mem>>, %arg11: memref<!tpu.dma_semaphore, #tpu.memory_space<semaphore_mem>>) attributes {dimension_semantics = [#tpu.dimension_semantics<core_parallel>, #tpu.dimension_semantics<subcore_parallel>], iteration_bounds = array<i64: 2, 16>, scalar_prefetch = 0 : i64, scratch_operands = 7 : i64, tpu.core_type = #tpu.core_type<sc_vector_subcore>, window_params = [{transform_indices = #map}, {transform_indices = #map1}, {transform_indices = #map}]} {
    %mul3A = arith.constant 2 : i32
    %mul3A_0 = arith.muli %arg1, %mul3A : i32
    %add3A = arith.addi %mul3A_0, %arg0 : i32
    %mul3A_1 = arith.constant 400 : i32
    %mul3A_2 = arith.muli %add3A, %mul3A_1 : i32
    %add3A_3 = arith.constant 0 : i32
    %add3A_4 = arith.addi %mul3A_2, %add3A_3 : i32
    %dma_start3A = arith.constant 0 : i32
    %dma_start3A_5 = tpu.memref_slice %arg2[%add3A_4, %dma_start3A] : memref<12800x4096xf32, #tpu.memory_space<hbm>> -> memref<8x4096xf32, #tpu.memory_space<hbm>>
    %dma_start3A_6 = arith.constant 0 : i32
    %dma_start3A_7 = tpu.memref_slice %arg2[%add3A_4, %dma_start3A_6] : memref<12800x4096xf32, #tpu.memory_space<hbm>> -> memref<8x4096xf32, #tpu.memory_space<hbm>>
    tpu.enqueue_dma source(%dma_start3A_7 : memref<8x4096xf32, #tpu.memory_space<hbm>>) target(%arg5 : memref<8x4096xf32, #tpu.memory_space<vmem>>) target_semaphore(%arg8 : memref<!tpu.dma_semaphore, #tpu.memory_space<semaphore_mem>>)
    %mul3A_8 = arith.constant 16 : i32
    %mul3A_9 = arith.muli %mul3A_2, %mul3A_8 : i32
    "tpu.region"() ({
      %run_scoped3A = tpu.sem_alloc : memref<!tpu.dma_semaphore, #tpu.memory_space<semaphore_mem>>
      %dma_start3A_19 = tpu.memref_slice %arg3[%mul3A_9] : memref<204800xf32, #tpu.memory_space<hbm>> -> memref<6400xf32, #tpu.memory_space<hbm>>
      %dma_start3A_20 = tpu.memref_slice %arg3[%mul3A_9] : memref<204800xf32, #tpu.memory_space<hbm>> -> memref<6400xf32, #tpu.memory_space<hbm>>
      tpu.enqueue_dma source(%dma_start3A_20 : memref<6400xf32, #tpu.memory_space<hbm>>) target(%arg7 : memref<6400xf32, #tpu.memory_space<vmem>>) target_semaphore(%run_scoped3A : memref<!tpu.dma_semaphore, #tpu.memory_space<semaphore_mem>>)
      %dma_wait3A_21 = tpu.memref_slice %arg3[%mul3A_9] : memref<204800xf32, #tpu.memory_space<hbm>> -> memref<6400xf32, #tpu.memory_space<hbm>>
      %dma_wait3A_22 = tpu.memref_slice %arg3[%mul3A_9] : memref<204800xf32, #tpu.memory_space<hbm>> -> memref<6400xf32, #tpu.memory_space<hbm>>
      tpu.wait_dma2 semaphore(%run_scoped3A : memref<!tpu.dma_semaphore, #tpu.memory_space<semaphore_mem>>) src(%dma_wait3A_22 : memref<6400xf32, #tpu.memory_space<hbm>>) dst(%arg7 : memref<6400xf32, #tpu.memory_space<vmem>>)
      tpu.yield
    }) : () -> ()
    %scan3A = arith.constant 0 : i32
    %scan3A_10 = arith.constant 25 : i32
    %scan3A_11 = arith.addi %scan3A, %scan3A_10 : i32
    %scan3A_12 = arith.constant 1 : i32
    scf.for %scan3A_19 = %scan3A to %scan3A_11 step %scan3A_12  : i32 {
      %mul3A_20 = arith.constant 2 : i32
      %mul3A_21 = arith.muli %scan3A_19, %mul3A_20 : i32
      %add3A_22 = arith.constant 0 : i32
      %add3A_23 = arith.addi %add3A_22, %mul3A_21 : i32
      %add3A_24 = arith.constant 0 : i32
      %add3A_25 = arith.addi %add3A_23, %add3A_24 : i32
      %ge3A = arith.constant 1 : i32
      %ge3A_26 = arith.cmpi sge, %add3A_25, %ge3A : i32
      %convert_element_type3A = arith.extui %ge3A_26 : i1 to i32
      %cond3A = arith.constant 0 : i32
      %cond3A_27 = arith.cmpi ne, %convert_element_type3A, %cond3A : i32
      scf.if %cond3A_27 {
        %sub3A = arith.constant 1 : i32
        %sub3A_299 = arith.subi %add3A_25, %sub3A : i32
        %mul3A_300 = arith.constant 8 : i32
        %mul3A_301 = arith.muli %sub3A_299, %mul3A_300 : i32
        %add3A_302 = arith.addi %mul3A_2, %mul3A_301 : i32
        %dma_wait3A_303 = arith.constant 0 : i32
        %dma_wait3A_304 = tpu.memref_slice %arg4[%add3A_302, %dma_wait3A_303] : memref<12800x4096xf32, #tpu.memory_space<hbm>> -> memref<8x4096xf32, #tpu.memory_space<hbm>>
        %dma_wait3A_305 = arith.constant 0 : i32
        %dma_wait3A_306 = tpu.memref_slice %arg4[%add3A_302, %dma_wait3A_305] : memref<12800x4096xf32, #tpu.memory_space<hbm>> -> memref<8x4096xf32, #tpu.memory_space<hbm>>
        tpu.wait_dma2 semaphore(%arg11 : memref<!tpu.dma_semaphore, #tpu.memory_space<semaphore_mem>>) src(%arg6 : memref<8x4096xf32, #tpu.memory_space<vmem>>) dst(%dma_wait3A_306 : memref<8x4096xf32, #tpu.memory_space<hbm>>)
      } else {
      }
      %add3A_28 = arith.constant 1 : i32
      %add3A_29 = arith.addi %add3A_25, %add3A_28 : i32
      %lt3A = arith.constant 50 : i32
      %lt3A_30 = arith.cmpi slt, %add3A_29, %lt3A : i32
      %convert_element_type3A_31 = arith.extui %lt3A_30 : i1 to i32
      %cond3A_32 = arith.constant 0 : i32
      %cond3A_33 = arith.cmpi ne, %convert_element_type3A_31, %cond3A_32 : i32
      scf.if %cond3A_33 {
        %add3A_299 = arith.constant 1 : i32
        %add3A_300 = arith.addi %add3A_25, %add3A_299 : i32
        %mul3A_301 = arith.constant 8 : i32
        %mul3A_302 = arith.muli %add3A_300, %mul3A_301 : i32
        %add3A_303 = arith.addi %mul3A_2, %mul3A_302 : i32
        %dma_start3A_304 = arith.constant 0 : i32
        %dma_start3A_305 = tpu.memref_slice %arg2[%add3A_303, %dma_start3A_304] : memref<12800x4096xf32, #tpu.memory_space<hbm>> -> memref<8x4096xf32, #tpu.memory_space<hbm>>
        %dma_start3A_306 = arith.constant 0 : i32
        %dma_start3A_307 = tpu.memref_slice %arg2[%add3A_303, %dma_start3A_306] : memref<12800x4096xf32, #tpu.memory_space<hbm>> -> memref<8x4096xf32, #tpu.memory_space<hbm>>
        tpu.enqueue_dma source(%dma_start3A_307 : memref<8x4096xf32, #tpu.memory_space<hbm>>) target(%arg6 : memref<8x4096xf32, #tpu.memory_space<vmem>>) target_semaphore(%arg9 : memref<!tpu.dma_semaphore, #tpu.memory_space<semaphore_mem>>)
      } else {
      }
      %mul3A_34 = arith.constant 8 : i32
      %mul3A_35 = arith.muli %add3A_25, %mul3A_34 : i32
      %add3A_36 = arith.addi %mul3A_2, %mul3A_35 : i32
      %dma_wait3A_37 = arith.constant 0 : i32
      %dma_wait3A_38 = tpu.memref_slice %arg2[%add3A_36, %dma_wait3A_37] : memref<12800x4096xf32, #tpu.memory_space<hbm>> -> memref<8x4096xf32, #tpu.memory_space<hbm>>
      %dma_wait3A_39 = arith.constant 0 : i32
      %dma_wait3A_40 = tpu.memref_slice %arg2[%add3A_36, %dma_wait3A_39] : memref<12800x4096xf32, #tpu.memory_space<hbm>> -> memref<8x4096xf32, #tpu.memory_space<hbm>>
      tpu.wait_dma2 semaphore(%arg8 : memref<!tpu.dma_semaphore, #tpu.memory_space<semaphore_mem>>) src(%dma_wait3A_40 : memref<8x4096xf32, #tpu.memory_space<hbm>>) dst(%arg5 : memref<8x4096xf32, #tpu.memory_space<vmem>>)
      %mul3A_41 = arith.constant 8 : i32
      %mul3A_42 = arith.muli %add3A_25, %mul3A_41 : i32
      %add3A_43 = arith.constant 0 : i32
      %add3A_44 = arith.addi %mul3A_42, %add3A_43 : i32
      %mul3A_45 = arith.constant 16 : i32
      %mul3A_46 = arith.muli %add3A_44, %mul3A_45 : i32
      %get3A = arith.index_cast %mul3A_46 : i32 to index
      %get3A_47 = tpu.vector_load %arg7[%get3A] {strides = array<i32>} : memref<6400xf32, #tpu.memory_space<vmem>>, vector<16xf32>,
      %get3A_48 = vector.shape_cast %get3A_47 : vector<16xf32> to vector<16xf32>
      %scan3A_49 = arith.constant 0 : i32
      %scan3A_50 = arith.constant 256 : i32
      %scan3A_51 = arith.addi %scan3A_49, %scan3A_50 : i32
      %scan3A_52 = arith.constant 8 : i32
      scf.for %scan3A_299 = %scan3A_49 to %scan3A_51 step %scan3A_52  : i32 {
        %mul3A_300 = arith.constant 1 : i32
        %mul3A_301 = arith.muli %scan3A_299, %mul3A_300 : i32
        %add3A_302 = arith.constant 0 : i32
        %add3A_303 = arith.addi %add3A_302, %mul3A_301 : i32
        %mul3A_304 = arith.constant 16 : i32
        %mul3A_305 = arith.muli %add3A_303, %mul3A_304 : i32
        %swap3A = arith.constant 0 : i32
        %swap3A_306 = arith.index_cast %swap3A : i32 to index
        %swap3A_307 = arith.index_cast %mul3A_305 : i32 to index
        %swap3A_308 = tpu.vector_load %arg5[%swap3A_306, %swap3A_307] {strides = array<i32>} : memref<8x4096xf32, #tpu.memory_space<vmem>>, vector<1x16xf32>,
        %swap3A_309 = vector.shape_cast %swap3A_308 : vector<1x16xf32> to vector<16xf32>
        %swap3A_310 = vector.shape_cast %get3A_48 : vector<16xf32> to vector<1x16xf32>
        tpu.vector_store %arg5[%swap3A_306, %swap3A_307], %swap3A_310 {add = true, strides = array<i32>} : memref<8x4096xf32, #tpu.memory_space<vmem>>, vector<1x16xf32>,
        %scan3A_311 = arith.constant 1 : i32
        %scan3A_312 = arith.addi %scan3A_299, %scan3A_311 : i32
        %mul3A_313 = arith.constant 1 : i32
        %mul3A_314 = arith.muli %scan3A_312, %mul3A_313 : i32
        %add3A_315 = arith.constant 0 : i32
        %add3A_316 = arith.addi %add3A_315, %mul3A_314 : i32
        %mul3A_317 = arith.constant 16 : i32
        %mul3A_318 = arith.muli %add3A_316, %mul3A_317 : i32
        %swap3A_319 = arith.constant 0 : i32
        %swap3A_320 = arith.index_cast %swap3A_319 : i32 to index
        %swap3A_321 = arith.index_cast %mul3A_318 : i32 to index
        %swap3A_322 = tpu.vector_load %arg5[%swap3A_320, %swap3A_321] {strides = array<i32>} : memref<8x4096xf32, #tpu.memory_space<vmem>>, vector<1x16xf32>,
        %swap3A_323 = vector.shape_cast %swap3A_322 : vector<1x16xf32> to vector<16xf32>
        %swap3A_324 = vector.shape_cast %get3A_48 : vector<16xf32> to vector<1x16xf32>
        tpu.vector_store %arg5[%swap3A_320, %swap3A_321], %swap3A_324 {add = true, strides = array<i32>} : memref<8x4096xf32, #tpu.memory_space<vmem>>, vector<1x16xf32>,
        %scan3A_325 = arith.constant 2 : i32
        %scan3A_326 = arith.addi %scan3A_299, %scan3A_325 : i32
        %mul3A_327 = arith.constant 1 : i32
        %mul3A_328 = arith.muli %scan3A_326, %mul3A_327 : i32
        %add3A_329 = arith.constant 0 : i32
        %add3A_330 = arith.addi %add3A_329, %mul3A_328 : i32
        %mul3A_331 = arith.constant 16 : i32
        %mul3A_332 = arith.muli %add3A_330, %mul3A_331 : i32
        %swap3A_333 = arith.constant 0 : i32
        %swap3A_334 = arith.index_cast %swap3A_333 : i32 to index
        %swap3A_335 = arith.index_cast %mul3A_332 : i32 to index
        %swap3A_336 = tpu.vector_load %arg5[%swap3A_334, %swap3A_335] {strides = array<i32>} : memref<8x4096xf32, #tpu.memory_space<vmem>>, vector<1x16xf32>,
        %swap3A_337 = vector.shape_cast %swap3A_336 : vector<1x16xf32> to vector<16xf32>
        %swap3A_338 = vector.shape_cast %get3A_48 : vector<16xf32> to vector<1x16xf32>
        tpu.vector_store %arg5[%swap3A_334, %swap3A_335], %swap3A_338 {add = true, strides = array<i32>} : memref<8x4096xf32, #tpu.memory_space<vmem>>, vector<1x16xf32>,
        %scan3A_339 = arith.constant 3 : i32
        %scan3A_340 = arith.addi %scan3A_299, %scan3A_339 : i32
        %mul3A_341 = arith.constant 1 : i32
        %mul3A_342 = arith.muli %scan3A_340, %mul3A_341 : i32
        %add3A_343 = arith.constant 0 : i32
        %add3A_344 = arith.addi %add3A_343, %mul3A_342 : i32
        %mul3A_345 = arith.constant 16 : i32
        %mul3A_346 = arith.muli %add3A_344, %mul3A_345 : i32
        %swap3A_347 = arith.constant 0 : i32
        %swap3A_348 = arith.index_cast %swap3A_347 : i32 to index
        %swap3A_349 = arith.index_cast %mul3A_346 : i32 to index
        %swap3A_350 = tpu.vector_load %arg5[%swap3A_348, %swap3A_349] {strides = array<i32>} : memref<8x4096xf32, #tpu.memory_space<vmem>>, vector<1x16xf32>,
        %swap3A_351 = vector.shape_cast %swap3A_350 : vector<1x16xf32> to vector<16xf32>
        %swap3A_352 = vector.shape_cast %get3A_48 : vector<16xf32> to vector<1x16xf32>
        tpu.vector_store %arg5[%swap3A_348, %swap3A_349], %swap3A_352 {add = true, strides = array<i32>} : memref<8x4096xf32, #tpu.memory_space<vmem>>, vector<1x16xf32>,
        %scan3A_353 = arith.constant 4 : i32
        %scan3A_354 = arith.addi %scan3A_299, %scan3A_353 : i32
        %mul3A_355 = arith.constant 1 : i32
        %mul3A_356 = arith.muli %scan3A_354, %mul3A_355 : i32
        %add3A_357 = arith.constant 0 : i32
        %add3A_358 = arith.addi %add3A_357, %mul3A_356 : i32
        %mul3A_359 = arith.constant 16 : i32
        %mul3A_360 = arith.muli %add3A_358, %mul3A_359 : i32
        %swap3A_361 = arith.constant 0 : i32
        %swap3A_362 = arith.index_cast %swap3A_361 : i32 to index
        %swap3A_363 = arith.index_cast %mul3A_360 : i32 to index
        %swap3A_364 = tpu.vector_load %arg5[%swap3A_362, %swap3A_363] {strides = array<i32>} : memref<8x4096xf32, #tpu.memory_space<vmem>>, vector<1x16xf32>,
        %swap3A_365 = vector.shape_cast %swap3A_364 : vector<1x16xf32> to vector<16xf32>
        %swap3A_366 = vector.shape_cast %get3A_48 : vector<16xf32> to vector<1x16xf32>
        tpu.vector_store %arg5[%swap3A_362, %swap3A_363], %swap3A_366 {add = true, strides = array<i32>} : memref<8x4096xf32, #tpu.memory_space<vmem>>, vector<1x16xf32>,
        %scan3A_367 = arith.constant 5 : i32
        %scan3A_368 = arith.addi %scan3A_299, %scan3A_367 : i32
        %mul3A_369 = arith.constant 1 : i32
        %mul3A_370 = arith.muli %scan3A_368, %mul3A_369 : i32
        %add3A_371 = arith.constant 0 : i32
        %add3A_372 = arith.addi %add3A_371, %mul3A_370 : i32
        %mul3A_373 = arith.constant 16 : i32
        %mul3A_374 = arith.muli %add3A_372, %mul3A_373 : i32
        %swap3A_375 = arith.constant 0 : i32
        %swap3A_376 = arith.index_cast %swap3A_375 : i32 to index
        %swap3A_377 = arith.index_cast %mul3A_374 : i32 to index
        %swap3A_378 = tpu.vector_load %arg5[%swap3A_376, %swap3A_377] {strides = array<i32>} : memref<8x4096xf32, #tpu.memory_space<vmem>>, vector<1x16xf32>,
        %swap3A_379 = vector.shape_cast %swap3A_378 : vector<1x16xf32> to vector<16xf32>
        %swap3A_380 = vector.shape_cast %get3A_48 : vector<16xf32> to vector<1x16xf32>
        tpu.vector_store %arg5[%swap3A_376, %swap3A_377], %swap3A_380 {add = true, strides = array<i32>} : memref<8x4096xf32, #tpu.memory_space<vmem>>, vector<1x16xf32>,
        %scan3A_381 = arith.constant 6 : i32
        %scan3A_382 = arith.addi %scan3A_299, %scan3A_381 : i32
        %mul3A_383 = arith.constant 1 : i32
        %mul3A_384 = arith.muli %scan3A_382, %mul3A_383 : i32
        %add3A_385 = arith.constant 0 : i32
        %add3A_386 = arith.addi %add3A_385, %mul3A_384 : i32
        %mul3A_387 = arith.constant 16 : i32
        %mul3A_388 = arith.muli %add3A_386, %mul3A_387 : i32
        %swap3A_389 = arith.constant 0 : i32
        %swap3A_390 = arith.index_cast %swap3A_389 : i32 to index
        %swap3A_391 = arith.index_cast %mul3A_388 : i32 to index
        %swap3A_392 = tpu.vector_load %arg5[%swap3A_390, %swap3A_391] {strides = array<i32>} : memref<8x4096xf32, #tpu.memory_space<vmem>>, vector<1x16xf32>,
        %swap3A_393 = vector.shape_cast %swap3A_392 : vector<1x16xf32> to vector<16xf32>
        %swap3A_394 = vector.shape_cast %get3A_48 : vector<16xf32> to vector<1x16xf32>
        tpu.vector_store %arg5[%swap3A_390, %swap3A_391], %swap3A_394 {add = true, strides = array<i32>} : memref<8x4096xf32, #tpu.memory_space<vmem>>, vector<1x16xf32>,
        %scan3A_395 = arith.constant 7 : i32
        %scan3A_396 = arith.addi %scan3A_299, %scan3A_395 : i32
        %mul3A_397 = arith.constant 1 : i32
        %mul3A_398 = arith.muli %scan3A_396, %mul3A_397 : i32
        %add3A_399 = arith.constant 0 : i32
        %add3A_400 = arith.addi %add3A_399, %mul3A_398 : i32
        %mul3A_401 = arith.constant 16 : i32
        %mul3A_402 = arith.muli %add3A_400, %mul3A_401 : i32
        %swap3A_403 = arith.constant 0 : i32
        %swap3A_404 = arith.index_cast %swap3A_403 : i32 to index
        %swap3A_405 = arith.index_cast %mul3A_402 : i32 to index
        %swap3A_406 = tpu.vector_load %arg5[%swap3A_404, %swap3A_405] {strides = array<i32>} : memref<8x4096xf32, #tpu.memory_space<vmem>>, vector<1x16xf32>,
        %swap3A_407 = vector.shape_cast %swap3A_406 : vector<1x16xf32> to vector<16xf32>
        %swap3A_408 = vector.shape_cast %get3A_48 : vector<16xf32> to vector<1x16xf32>
        tpu.vector_store %arg5[%swap3A_404, %swap3A_405], %swap3A_408 {add = true, strides = array<i32>} : memref<8x4096xf32, #tpu.memory_space<vmem>>, vector<1x16xf32>,
      }
      %scan3A_53 = arith.constant 256 : i32
      %mul3A_54 = arith.constant 8 : i32
      %mul3A_55 = arith.muli %add3A_25, %mul3A_54 : i32
      %add3A_56 = arith.constant 1 : i32
      %add3A_57 = arith.addi %mul3A_55, %add3A_56 : i32
      %mul3A_58 = arith.constant 16 : i32
      %mul3A_59 = arith.muli %add3A_57, %mul3A_58 : i32
      %get3A_60 = arith.index_cast %mul3A_59 : i32 to index
      %get3A_61 = tpu.vector_load %arg7[%get3A_60] {strides = array<i32>} : memref<6400xf32, #tpu.memory_space<vmem>>, vector<16xf32>,
      %get3A_62 = vector.shape_cast %get3A_61 : vector<16xf32> to vector<16xf32>
      %scan3A_63 = arith.constant 0 : i32
      %scan3A_64 = arith.constant 256 : i32
      %scan3A_65 = arith.addi %scan3A_63, %scan3A_64 : i32
      %scan3A_66 = arith.constant 8 : i32
      scf.for %scan3A_299 = %scan3A_63 to %scan3A_65 step %scan3A_66  : i32 {
        %mul3A_300 = arith.constant 1 : i32
        %mul3A_301 = arith.muli %scan3A_299, %mul3A_300 : i32
        %add3A_302 = arith.constant 0 : i32
        %add3A_303 = arith.addi %add3A_302, %mul3A_301 : i32
        %mul3A_304 = arith.constant 16 : i32
        %mul3A_305 = arith.muli %add3A_303, %mul3A_304 : i32
        %swap3A = arith.constant 1 : i32
        %swap3A_306 = arith.index_cast %swap3A : i32 to index
        %swap3A_307 = arith.index_cast %mul3A_305 : i32 to index
        %swap3A_308 = tpu.vector_load %arg5[%swap3A_306, %swap3A_307] {strides = array<i32>} : memref<8x4096xf32, #tpu.memory_space<vmem>>, vector<1x16xf32>,
        %swap3A_309 = vector.shape_cast %swap3A_308 : vector<1x16xf32> to vector<16xf32>
        %swap3A_310 = vector.shape_cast %get3A_62 : vector<16xf32> to vector<1x16xf32>
        tpu.vector_store %arg5[%swap3A_306, %swap3A_307], %swap3A_310 {add = true, strides = array<i32>} : memref<8x4096xf32, #tpu.memory_space<vmem>>, vector<1x16xf32>,
        %scan3A_311 = arith.constant 1 : i32
        %scan3A_312 = arith.addi %scan3A_299, %scan3A_311 : i32
        %mul3A_313 = arith.constant 1 : i32
        %mul3A_314 = arith.muli %scan3A_312, %mul3A_313 : i32
        %add3A_315 = arith.constant 0 : i32
        %add3A_316 = arith.addi %add3A_315, %mul3A_314 : i32
        %mul3A_317 = arith.constant 16 : i32
        %mul3A_318 = arith.muli %add3A_316, %mul3A_317 : i32
        %swap3A_319 = arith.constant 1 : i32
        %swap3A_320 = arith.index_cast %swap3A_319 : i32 to index
        %swap3A_321 = arith.index_cast %mul3A_318 : i32 to index
        %swap3A_322 = tpu.vector_load %arg5[%swap3A_320, %swap3A_321] {strides = array<i32>} : memref<8x4096xf32, #tpu.memory_space<vmem>>, vector<1x16xf32>,
        %swap3A_323 = vector.shape_cast %swap3A_322 : vector<1x16xf32> to vector<16xf32>
        %swap3A_324 = vector.shape_cast %get3A_62 : vector<16xf32> to vector<1x16xf32>
        tpu.vector_store %arg5[%swap3A_320, %swap3A_321], %swap3A_324 {add = true, strides = array<i32>} : memref<8x4096xf32, #tpu.memory_space<vmem>>, vector<1x16xf32>,
        %scan3A_325 = arith.constant 2 : i32
        %scan3A_326 = arith.addi %scan3A_299, %scan3A_325 : i32
        %mul3A_327 = arith.constant 1 : i32
        %mul3A_328 = arith.muli %scan3A_326, %mul3A_327 : i32
        %add3A_329 = arith.constant 0 : i32
        %add3A_330 = arith.addi %add3A_329, %mul3A_328 : i32
        %mul3A_331 = arith.constant 16 : i32
        %mul3A_332 = arith.muli %add3A_330, %mul3A_331 : i32
        %swap3A_333 = arith.constant 1 : i32
        %swap3A_334 = arith.index_cast %swap3A_333 : i32 to index
        %swap3A_335 = arith.index_cast %mul3A_332 : i32 to index
        %swap3A_336 = tpu.vector_load %arg5[%swap3A_334, %swap3A_335] {strides = array<i32>} : memref<8x4096xf32, #tpu.memory_space<vmem>>, vector<1x16xf32>,
        %swap3A_337 = vector.shape_cast %swap3A_336 : vector<1x16xf32> to vector<16xf32>
        %swap3A_338 = vector.shape_cast %get3A_62 : vector<16xf32> to vector<1x16xf32>
        tpu.vector_store %arg5[%swap3A_334, %swap3A_335], %swap3A_338 {add = true, strides = array<i32>} : memref<8x4096xf32, #tpu.memory_space<vmem>>, vector<1x16xf32>,
        %scan3A_339 = arith.constant 3 : i32
        %scan3A_340 = arith.addi %scan3A_299, %scan3A_339 : i32
        %mul3A_341 = arith.constant 1 : i32
        %mul3A_342 = arith.muli %scan3A_340, %mul3A_341 : i32
        %add3A_343 = arith.constant 0 : i32
        %add3A_344 = arith.addi %add3A_343, %mul3A_342 : i32
        %mul3A_345 = arith.constant 16 : i32
        %mul3A_346 = arith.muli %add3A_344, %mul3A_345 : i32
        %swap3A_347 = arith.constant 1 : i32
        %swap3A_348 = arith.index_cast %swap3A_347 : i32 to index
        %swap3A_349 = arith.index_cast %mul3A_346 : i32 to index
        %swap3A_350 = tpu.vector_load %arg5[%swap3A_348, %swap3A_349] {strides = array<i32>} : memref<8x4096xf32, #tpu.memory_space<vmem>>, vector<1x16xf32>,
        %swap3A_351 = vector.shape_cast %swap3A_350 : vector<1x16xf32> to vector<16xf32>
        %swap3A_352 = vector.shape_cast %get3A_62 : vector<16xf32> to vector<1x16xf32>
        tpu.vector_store %arg5[%swap3A_348, %swap3A_349], %swap3A_352 {add = true, strides = array<i32>} : memref<8x4096xf32, #tpu.memory_space<vmem>>, vector<1x16xf32>,
        %scan3A_353 = arith.constant 4 : i32
        %scan3A_354 = arith.addi %scan3A_299, %scan3A_353 : i32
        %mul3A_355 = arith.constant 1 : i32
        %mul3A_356 = arith.muli %scan3A_354, %mul3A_355 : i32
        %add3A_357 = arith.constant 0 : i32
        %add3A_358 = arith.addi %add3A_357, %mul3A_356 : i32
        %mul3A_359 = arith.constant 16 : i32
        %mul3A_360 = arith.muli %add3A_358, %mul3A_359 : i32
        %swap3A_361 = arith.constant 1 : i32
        %swap3A_362 = arith.index_cast %swap3A_361 : i32 to index
        %swap3A_363 = arith.index_cast %mul3A_360 : i32 to index
        %swap3A_364 = tpu.vector_load %arg5[%swap3A_362, %swap3A_363] {strides = array<i32>} : memref<8x4096xf32, #tpu.memory_space<vmem>>, vector<1x16xf32>,
        %swap3A_365 = vector.shape_cast %swap3A_364 : vector<1x16xf32> to vector<16xf32>
        %swap3A_366 = vector.shape_cast %get3A_62 : vector<16xf32> to vector<1x16xf32>
        tpu.vector_store %arg5[%swap3A_362, %swap3A_363], %swap3A_366 {add = true, strides = array<i32>} : memref<8x4096xf32, #tpu.memory_space<vmem>>, vector<1x16xf32>,
        %scan3A_367 = arith.constant 5 : i32
        %scan3A_368 = arith.addi %scan3A_299, %scan3A_367 : i32
        %mul3A_369 = arith.constant 1 : i32
        %mul3A_370 = arith.muli %scan3A_368, %mul3A_369 : i32
        %add3A_371 = arith.constant 0 : i32
        %add3A_372 = arith.addi %add3A_371, %mul3A_370 : i32
        %mul3A_373 = arith.constant 16 : i32
        %mul3A_374 = arith.muli %add3A_372, %mul3A_373 : i32
        %swap3A_375 = arith.constant 1 : i32
        %swap3A_376 = arith.index_cast %swap3A_375 : i32 to index
        %swap3A_377 = arith.index_cast %mul3A_374 : i32 to index
        %swap3A_378 = tpu.vector_load %arg5[%swap3A_376, %swap3A_377] {strides = array<i32>} : memref<8x4096xf32, #tpu.memory_space<vmem>>, vector<1x16xf32>,
        %swap3A_379 = vector.shape_cast %swap3A_378 : vector<1x16xf32> to vector<16xf32>
        %swap3A_380 = vector.shape_cast %get3A_62 : vector<16xf32> to vector<1x16xf32>
        tpu.vector_store %arg5[%swap3A_376, %swap3A_377], %swap3A_380 {add = true, strides = array<i32>} : memref<8x4096xf32, #tpu.memory_space<vmem>>, vector<1x16xf32>,
        %scan3A_381 = arith.constant 6 : i32
        %scan3A_382 = arith.addi %scan3A_299, %scan3A_381 : i32
        %mul3A_383 = arith.constant 1 : i32
        %mul3A_384 = arith.muli %scan3A_382, %mul3A_383 : i32
        %add3A_385 = arith.constant 0 : i32
        %add3A_386 = arith.addi %add3A_385, %mul3A_384 : i32
        %mul3A_387 = arith.constant 16 : i32
        %mul3A_388 = arith.muli %add3A_386, %mul3A_387 : i32
        %swap3A_389 = arith.constant 1 : i32
        %swap3A_390 = arith.index_cast %swap3A_389 : i32 to index
        %swap3A_391 = arith.index_cast %mul3A_388 : i32 to index
        %swap3A_392 = tpu.vector_load %arg5[%swap3A_390, %swap3A_391] {strides = array<i32>} : memref<8x4096xf32, #tpu.memory_space<vmem>>, vector<1x16xf32>,
        %swap3A_393 = vector.shape_cast %swap3A_392 : vector<1x16xf32> to vector<16xf32>
        %swap3A_394 = vector.shape_cast %get3A_62 : vector<16xf32> to vector<1x16xf32>
        tpu.vector_store %arg5[%swap3A_390, %swap3A_391], %swap3A_394 {add = true, strides = array<i32>} : memref<8x4096xf32, #tpu.memory_space<vmem>>, vector<1x16xf32>,
        %scan3A_395 = arith.constant 7 : i32
        %scan3A_396 = arith.addi %scan3A_299, %scan3A_395 : i32
        %mul3A_397 = arith.constant 1 : i32
        %mul3A_398 = arith.muli %scan3A_396, %mul3A_397 : i32
        %add3A_399 = arith.constant 0 : i32
        %add3A_400 = arith.addi %add3A_399, %mul3A_398 : i32
        %mul3A_401 = arith.constant 16 : i32
        %mul3A_402 = arith.muli %add3A_400, %mul3A_401 : i32
        %swap3A_403 = arith.constant 1 : i32
        %swap3A_404 = arith.index_cast %swap3A_403 : i32 to index
        %swap3A_405 = arith.index_cast %mul3A_402 : i32 to index
        %swap3A_406 = tpu.vector_load %arg5[%swap3A_404, %swap3A_405] {strides = array<i32>} : memref<8x4096xf32, #tpu.memory_space<vmem>>, vector<1x16xf32>,
        %swap3A_407 = vector.shape_cast %swap3A_406 : vector<1x16xf32> to vector<16xf32>
        %swap3A_408 = vector.shape_cast %get3A_62 : vector<16xf32> to vector<1x16xf32>
        tpu.vector_store %arg5[%swap3A_404, %swap3A_405], %swap3A_408 {add = true, strides = array<i32>} : memref<8x4096xf32, #tpu.memory_space<vmem>>, vector<1x16xf32>,
      }
      %scan3A_67 = arith.constant 256 : i32
      %mul3A_68 = arith.constant 8 : i32
      %mul3A_69 = arith.muli %add3A_25, %mul3A_68 : i32
      %add3A_70 = arith.constant 2 : i32
      %add3A_71 = arith.addi %mul3A_69, %add3A_70 : i32
      %mul3A_72 = arith.constant 16 : i32
      %mul3A_73 = arith.muli %add3A_71, %mul3A_72 : i32
      %get3A_74 = arith.index_cast %mul3A_73 : i32 to index
      %get3A_75 = tpu.vector_load %arg7[%get3A_74] {strides = array<i32>} : memref<6400xf32, #tpu.memory_space<vmem>>, vector<16xf32>,
      %get3A_76 = vector.shape_cast %get3A_75 : vector<16xf32> to vector<16xf32>
      %scan3A_77 = arith.constant 0 : i32
      %scan3A_78 = arith.constant 256 : i32
      %scan3A_79 = arith.addi %scan3A_77, %scan3A_78 : i32
      %scan3A_80 = arith.constant 8 : i32
      scf.for %scan3A_299 = %scan3A_77 to %scan3A_79 step %scan3A_80  : i32 {
        %mul3A_300 = arith.constant 1 : i32
        %mul3A_301 = arith.muli %scan3A_299, %mul3A_300 : i32
        %add3A_302 = arith.constant 0 : i32
        %add3A_303 = arith.addi %add3A_302, %mul3A_301 : i32
        %mul3A_304 = arith.constant 16 : i32
        %mul3A_305 = arith.muli %add3A_303, %mul3A_304 : i32
        %swap3A = arith.constant 2 : i32
        %swap3A_306 = arith.index_cast %swap3A : i32 to index
        %swap3A_307 = arith.index_cast %mul3A_305 : i32 to index
        %swap3A_308 = tpu.vector_load %arg5[%swap3A_306, %swap3A_307] {strides = array<i32>} : memref<8x4096xf32, #tpu.memory_space<vmem>>, vector<1x16xf32>,
        %swap3A_309 = vector.shape_cast %swap3A_308 : vector<1x16xf32> to vector<16xf32>
        %swap3A_310 = vector.shape_cast %get3A_76 : vector<16xf32> to vector<1x16xf32>
        tpu.vector_store %arg5[%swap3A_306, %swap3A_307], %swap3A_310 {add = true, strides = array<i32>} : memref<8x4096xf32, #tpu.memory_space<vmem>>, vector<1x16xf32>,
        %scan3A_311 = arith.constant 1 : i32
        %scan3A_312 = arith.addi %scan3A_299, %scan3A_311 : i32
        %mul3A_313 = arith.constant 1 : i32
        %mul3A_314 = arith.muli %scan3A_312, %mul3A_313 : i32
        %add3A_315 = arith.constant 0 : i32
        %add3A_316 = arith.addi %add3A_315, %mul3A_314 : i32
        %mul3A_317 = arith.constant 16 : i32
        %mul3A_318 = arith.muli %add3A_316, %mul3A_317 : i32
        %swap3A_319 = arith.constant 2 : i32
        %swap3A_320 = arith.index_cast %swap3A_319 : i32 to index
        %swap3A_321 = arith.index_cast %mul3A_318 : i32 to index
        %swap3A_322 = tpu.vector_load %arg5[%swap3A_320, %swap3A_321] {strides = array<i32>} : memref<8x4096xf32, #tpu.memory_space<vmem>>, vector<1x16xf32>,
        %swap3A_323 = vector.shape_cast %swap3A_322 : vector<1x16xf32> to vector<16xf32>
        %swap3A_324 = vector.shape_cast %get3A_76 : vector<16xf32> to vector<1x16xf32>
        tpu.vector_store %arg5[%swap3A_320, %swap3A_321], %swap3A_324 {add = true, strides = array<i32>} : memref<8x4096xf32, #tpu.memory_space<vmem>>, vector<1x16xf32>,
        %scan3A_325 = arith.constant 2 : i32
        %scan3A_326 = arith.addi %scan3A_299, %scan3A_325 : i32
        %mul3A_327 = arith.constant 1 : i32
        %mul3A_328 = arith.muli %scan3A_326, %mul3A_327 : i32
        %add3A_329 = arith.constant 0 : i32
        %add3A_330 = arith.addi %add3A_329, %mul3A_328 : i32
        %mul3A_331 = arith.constant 16 : i32
        %mul3A_332 = arith.muli %add3A_330, %mul3A_331 : i32
        %swap3A_333 = arith.constant 2 : i32
        %swap3A_334 = arith.index_cast %swap3A_333 : i32 to index
        %swap3A_335 = arith.index_cast %mul3A_332 : i32 to index
        %swap3A_336 = tpu.vector_load %arg5[%swap3A_334, %swap3A_335] {strides = array<i32>} : memref<8x4096xf32, #tpu.memory_space<vmem>>, vector<1x16xf32>,
        %swap3A_337 = vector.shape_cast %swap3A_336 : vector<1x16xf32> to vector<16xf32>
        %swap3A_338 = vector.shape_cast %get3A_76 : vector<16xf32> to vector<1x16xf32>
        tpu.vector_store %arg5[%swap3A_334, %swap3A_335], %swap3A_338 {add = true, strides = array<i32>} : memref<8x4096xf32, #tpu.memory_space<vmem>>, vector<1x16xf32>,
        %scan3A_339 = arith.constant 3 : i32
        %scan3A_340 = arith.addi %scan3A_299, %scan3A_339 : i32
        %mul3A_341 = arith.constant 1 : i32
        %mul3A_342 = arith.muli %scan3A_340, %mul3A_341 : i32
        %add3A_343 = arith.constant 0 : i32
        %add3A_344 = arith.addi %add3A_343, %mul3A_342 : i32
        %mul3A_345 = arith.constant 16 : i32
        %mul3A_346 = arith.muli %add3A_344, %mul3A_345 : i32
        %swap3A_347 = arith.constant 2 : i32
        %swap3A_348 = arith.index_cast %swap3A_347 : i32 to index
        %swap3A_349 = arith.index_cast %mul3A_346 : i32 to index
        %swap3A_350 = tpu.vector_load %arg5[%swap3A_348, %swap3A_349] {strides = array<i32>} : memref<8x4096xf32, #tpu.memory_space<vmem>>, vector<1x16xf32>,
        %swap3A_351 = vector.shape_cast %swap3A_350 : vector<1x16xf32> to vector<16xf32>
        %swap3A_352 = vector.shape_cast %get3A_76 : vector<16xf32> to vector<1x16xf32>
        tpu.vector_store %arg5[%swap3A_348, %swap3A_349], %swap3A_352 {add = true, strides = array<i32>} : memref<8x4096xf32, #tpu.memory_space<vmem>>, vector<1x16xf32>,
        %scan3A_353 = arith.constant 4 : i32
        %scan3A_354 = arith.addi %scan3A_299, %scan3A_353 : i32
        %mul3A_355 = arith.constant 1 : i32
        %mul3A_356 = arith.muli %scan3A_354, %mul3A_355 : i32
        %add3A_357 = arith.constant 0 : i32
        %add3A_358 = arith.addi %add3A_357, %mul3A_356 : i32
        %mul3A_359 = arith.constant 16 : i32
        %mul3A_360 = arith.muli %add3A_358, %mul3A_359 : i32
        %swap3A_361 = arith.constant 2 : i32
        %swap3A_362 = arith.index_cast %swap3A_361 : i32 to index
        %swap3A_363 = arith.index_cast %mul3A_360 : i32 to index
        %swap3A_364 = tpu.vector_load %arg5[%swap3A_362, %swap3A_363] {strides = array<i32>} : memref<8x4096xf32, #tpu.memory_space<vmem>>, vector<1x16xf32>,
        %swap3A_365 = vector.shape_cast %swap3A_364 : vector<1x16xf32> to vector<16xf32>
        %swap3A_366 = vector.shape_cast %get3A_76 : vector<16xf32> to vector<1x16xf32>
        tpu.vector_store %arg5[%swap3A_362, %swap3A_363], %swap3A_366 {add = true, strides = array<i32>} : memref<8x4096xf32, #tpu.memory_space<vmem>>, vector<1x16xf32>,
        %scan3A_367 = arith.constant 5 : i32
        %scan3A_368 = arith.addi %scan3A_299, %scan3A_367 : i32
        %mul3A_369 = arith.constant 1 : i32
        %mul3A_370 = arith.muli %scan3A_368, %mul3A_369 : i32
        %add3A_371 = arith.constant 0 : i32
        %add3A_372 = arith.addi %add3A_371, %mul3A_370 : i32
        %mul3A_373 = arith.constant 16 : i32
        %mul3A_374 = arith.muli %add3A_372, %mul3A_373 : i32
        %swap3A_375 = arith.constant 2 : i32
        %swap3A_376 = arith.index_cast %swap3A_375 : i32 to index
        %swap3A_377 = arith.index_cast %mul3A_374 : i32 to index
        %swap3A_378 = tpu.vector_load %arg5[%swap3A_376, %swap3A_377] {strides = array<i32>} : memref<8x4096xf32, #tpu.memory_space<vmem>>, vector<1x16xf32>,
        %swap3A_379 = vector.shape_cast %swap3A_378 : vector<1x16xf32> to vector<16xf32>
        %swap3A_380 = vector.shape_cast %get3A_76 : vector<16xf32> to vector<1x16xf32>
        tpu.vector_store %arg5[%swap3A_376, %swap3A_377], %swap3A_380 {add = true, strides = array<i32>} : memref<8x4096xf32, #tpu.memory_space<vmem>>, vector<1x16xf32>,
        %scan3A_381 = arith.constant 6 : i32
        %scan3A_382 = arith.addi %scan3A_299, %scan3A_381 : i32
        %mul3A_383 = arith.constant 1 : i32
        %mul3A_384 = arith.muli %scan3A_382, %mul3A_383 : i32
        %add3A_385 = arith.constant 0 : i32
        %add3A_386 = arith.addi %add3A_385, %mul3A_384 : i32
        %mul3A_387 = arith.constant 16 : i32
        %mul3A_388 = arith.muli %add3A_386, %mul3A_387 : i32
        %swap3A_389 = arith.constant 2 : i32
        %swap3A_390 = arith.index_cast %swap3A_389 : i32 to index
        %swap3A_391 = arith.index_cast %mul3A_388 : i32 to index
        %swap3A_392 = tpu.vector_load %arg5[%swap3A_390, %swap3A_391] {strides = array<i32>} : memref<8x4096xf32, #tpu.memory_space<vmem>>, vector<1x16xf32>,
        %swap3A_393 = vector.shape_cast %swap3A_392 : vector<1x16xf32> to vector<16xf32>
        %swap3A_394 = vector.shape_cast %get3A_76 : vector<16xf32> to vector<1x16xf32>
        tpu.vector_store %arg5[%swap3A_390, %swap3A_391], %swap3A_394 {add = true, strides = array<i32>} : memref<8x4096xf32, #tpu.memory_space<vmem>>, vector<1x16xf32>,
        %scan3A_395 = arith.constant 7 : i32
        %scan3A_396 = arith.addi %scan3A_299, %scan3A_395 : i32
        %mul3A_397 = arith.constant 1 : i32
        %mul3A_398 = arith.muli %scan3A_396, %mul3A_397 : i32
        %add3A_399 = arith.constant 0 : i32
        %add3A_400 = arith.addi %add3A_399, %mul3A_398 : i32
        %mul3A_401 = arith.constant 16 : i32
        %mul3A_402 = arith.muli %add3A_400, %mul3A_401 : i32
        %swap3A_403 = arith.constant 2 : i32
        %swap3A_404 = arith.index_cast %swap3A_403 : i32 to index
        %swap3A_405 = arith.index_cast %mul3A_402 : i32 to index
        %swap3A_406 = tpu.vector_load %arg5[%swap3A_404, %swap3A_405] {strides = array<i32>} : memref<8x4096xf32, #tpu.memory_space<vmem>>, vector<1x16xf32>,
        %swap3A_407 = vector.shape_cast %swap3A_406 : vector<1x16xf32> to vector<16xf32>
        %swap3A_408 = vector.shape_cast %get3A_76 : vector<16xf32> to vector<1x16xf32>
        tpu.vector_store %arg5[%swap3A_404, %swap3A_405], %swap3A_408 {add = true, strides = array<i32>} : memref<8x4096xf32, #tpu.memory_space<vmem>>, vector<1x16xf32>,
      }
      %scan3A_81 = arith.constant 256 : i32
      %mul3A_82 = arith.constant 8 : i32
      %mul3A_83 = arith.muli %add3A_25, %mul3A_82 : i32
      %add3A_84 = arith.constant 3 : i32
      %add3A_85 = arith.addi %mul3A_83, %add3A_84 : i32
      %mul3A_86 = arith.constant 16 : i32
      %mul3A_87 = arith.muli %add3A_85, %mul3A_86 : i32
      %get3A_88 = arith.index_cast %mul3A_87 : i32 to index
      %get3A_89 = tpu.vector_load %arg7[%get3A_88] {strides = array<i32>} : memref<6400xf32, #tpu.memory_space<vmem>>, vector<16xf32>,
      %get3A_90 = vector.shape_cast %get3A_89 : vector<16xf32> to vector<16xf32>
      %scan3A_91 = arith.constant 0 : i32
      %scan3A_92 = arith.constant 256 : i32
      %scan3A_93 = arith.addi %scan3A_91, %scan3A_92 : i32
      %scan3A_94 = arith.constant 8 : i32
      scf.for %scan3A_299 = %scan3A_91 to %scan3A_93 step %scan3A_94  : i32 {
        %mul3A_300 = arith.constant 1 : i32
        %mul3A_301 = arith.muli %scan3A_299, %mul3A_300 : i32
        %add3A_302 = arith.constant 0 : i32
        %add3A_303 = arith.addi %add3A_302, %mul3A_301 : i32
        %mul3A_304 = arith.constant 16 : i32
        %mul3A_305 = arith.muli %add3A_303, %mul3A_304 : i32
        %swap3A = arith.constant 3 : i32
        %swap3A_306 = arith.index_cast %swap3A : i32 to index
        %swap3A_307 = arith.index_cast %mul3A_305 : i32 to index
        %swap3A_308 = tpu.vector_load %arg5[%swap3A_306, %swap3A_307] {strides = array<i32>} : memref<8x4096xf32, #tpu.memory_space<vmem>>, vector<1x16xf32>,
        %swap3A_309 = vector.shape_cast %swap3A_308 : vector<1x16xf32> to vector<16xf32>
        %swap3A_310 = vector.shape_cast %get3A_90 : vector<16xf32> to vector<1x16xf32>
        tpu.vector_store %arg5[%swap3A_306, %swap3A_307], %swap3A_310 {add = true, strides = array<i32>} : memref<8x4096xf32, #tpu.memory_space<vmem>>, vector<1x16xf32>,
        %scan3A_311 = arith.constant 1 : i32
        %scan3A_312 = arith.addi %scan3A_299, %scan3A_311 : i32
        %mul3A_313 = arith.constant 1 : i32
        %mul3A_314 = arith.muli %scan3A_312, %mul3A_313 : i32
        %add3A_315 = arith.constant 0 : i32
        %add3A_316 = arith.addi %add3A_315, %mul3A_314 : i32
        %mul3A_317 = arith.constant 16 : i32
        %mul3A_318 = arith.muli %add3A_316, %mul3A_317 : i32
        %swap3A_319 = arith.constant 3 : i32
        %swap3A_320 = arith.index_cast %swap3A_319 : i32 to index
        %swap3A_321 = arith.index_cast %mul3A_318 : i32 to index
        %swap3A_322 = tpu.vector_load %arg5[%swap3A_320, %swap3A_321] {strides = array<i32>} : memref<8x4096xf32, #tpu.memory_space<vmem>>, vector<1x16xf32>,
        %swap3A_323 = vector.shape_cast %swap3A_322 : vector<1x16xf32> to vector<16xf32>
        %swap3A_324 = vector.shape_cast %get3A_90 : vector<16xf32> to vector<1x16xf32>
        tpu.vector_store %arg5[%swap3A_320, %swap3A_321], %swap3A_324 {add = true, strides = array<i32>} : memref<8x4096xf32, #tpu.memory_space<vmem>>, vector<1x16xf32>,
        %scan3A_325 = arith.constant 2 : i32
        %scan3A_326 = arith.addi %scan3A_299, %scan3A_325 : i32
        %mul3A_327 = arith.constant 1 : i32
        %mul3A_328 = arith.muli %scan3A_326, %mul3A_327 : i32
        %add3A_329 = arith.constant 0 : i32
        %add3A_330 = arith.addi %add3A_329, %mul3A_328 : i32
        %mul3A_331 = arith.constant 16 : i32
        %mul3A_332 = arith.muli %add3A_330, %mul3A_331 : i32
        %swap3A_333 = arith.constant 3 : i32
        %swap3A_334 = arith.index_cast %swap3A_333 : i32 to index
        %swap3A_335 = arith.index_cast %mul3A_332 : i32 to index
        %swap3A_336 = tpu.vector_load %arg5[%swap3A_334, %swap3A_335] {strides = array<i32>} : memref<8x4096xf32, #tpu.memory_space<vmem>>, vector<1x16xf32>,
        %swap3A_337 = vector.shape_cast %swap3A_336 : vector<1x16xf32> to vector<16xf32>
        %swap3A_338 = vector.shape_cast %get3A_90 : vector<16xf32> to vector<1x16xf32>
        tpu.vector_store %arg5[%swap3A_334, %swap3A_335], %swap3A_338 {add = true, strides = array<i32>} : memref<8x4096xf32, #tpu.memory_space<vmem>>, vector<1x16xf32>,
        %scan3A_339 = arith.constant 3 : i32
        %scan3A_340 = arith.addi %scan3A_299, %scan3A_339 : i32
        %mul3A_341 = arith.constant 1 : i32
        %mul3A_342 = arith.muli %scan3A_340, %mul3A_341 : i32
        %add3A_343 = arith.constant 0 : i32
        %add3A_344 = arith.addi %add3A_343, %mul3A_342 : i32
        %mul3A_345 = arith.constant 16 : i32
        %mul3A_346 = arith.muli %add3A_344, %mul3A_345 : i32
        %swap3A_347 = arith.constant 3 : i32
        %swap3A_348 = arith.index_cast %swap3A_347 : i32 to index
        %swap3A_349 = arith.index_cast %mul3A_346 : i32 to index
        %swap3A_350 = tpu.vector_load %arg5[%swap3A_348, %swap3A_349] {strides = array<i32>} : memref<8x4096xf32, #tpu.memory_space<vmem>>, vector<1x16xf32>,
        %swap3A_351 = vector.shape_cast %swap3A_350 : vector<1x16xf32> to vector<16xf32>
        %swap3A_352 = vector.shape_cast %get3A_90 : vector<16xf32> to vector<1x16xf32>
        tpu.vector_store %arg5[%swap3A_348, %swap3A_349], %swap3A_352 {add = true, strides = array<i32>} : memref<8x4096xf32, #tpu.memory_space<vmem>>, vector<1x16xf32>,
        %scan3A_353 = arith.constant 4 : i32
        %scan3A_354 = arith.addi %scan3A_299, %scan3A_353 : i32
        %mul3A_355 = arith.constant 1 : i32
        %mul3A_356 = arith.muli %scan3A_354, %mul3A_355 : i32
        %add3A_357 = arith.constant 0 : i32
        %add3A_358 = arith.addi %add3A_357, %mul3A_356 : i32
        %mul3A_359 = arith.constant 16 : i32
        %mul3A_360 = arith.muli %add3A_358, %mul3A_359 : i32
        %swap3A_361 = arith.constant 3 : i32
        %swap3A_362 = arith.index_cast %swap3A_361 : i32 to index
        %swap3A_363 = arith.index_cast %mul3A_360 : i32 to index
        %swap3A_364 = tpu.vector_load %arg5[%swap3A_362, %swap3A_363] {strides = array<i32>} : memref<8x4096xf32, #tpu.memory_space<vmem>>, vector<1x16xf32>,
        %swap3A_365 = vector.shape_cast %swap3A_364 : vector<1x16xf32> to vector<16xf32>
        %swap3A_366 = vector.shape_cast %get3A_90 : vector<16xf32> to vector<1x16xf32>
        tpu.vector_store %arg5[%swap3A_362, %swap3A_363], %swap3A_366 {add = true, strides = array<i32>} : memref<8x4096xf32, #tpu.memory_space<vmem>>, vector<1x16xf32>,
        %scan3A_367 = arith.constant 5 : i32
        %scan3A_368 = arith.addi %scan3A_299, %scan3A_367 : i32
        %mul3A_369 = arith.constant 1 : i32
        %mul3A_370 = arith.muli %scan3A_368, %mul3A_369 : i32
        %add3A_371 = arith.constant 0 : i32
        %add3A_372 = arith.addi %add3A_371, %mul3A_370 : i32
        %mul3A_373 = arith.constant 16 : i32
        %mul3A_374 = arith.muli %add3A_372, %mul3A_373 : i32
        %swap3A_375 = arith.constant 3 : i32
        %swap3A_376 = arith.index_cast %swap3A_375 : i32 to index
        %swap3A_377 = arith.index_cast %mul3A_374 : i32 to index
        %swap3A_378 = tpu.vector_load %arg5[%swap3A_376, %swap3A_377] {strides = array<i32>} : memref<8x4096xf32, #tpu.memory_space<vmem>>, vector<1x16xf32>,
        %swap3A_379 = vector.shape_cast %swap3A_378 : vector<1x16xf32> to vector<16xf32>
        %swap3A_380 = vector.shape_cast %get3A_90 : vector<16xf32> to vector<1x16xf32>
        tpu.vector_store %arg5[%swap3A_376, %swap3A_377], %swap3A_380 {add = true, strides = array<i32>} : memref<8x4096xf32, #tpu.memory_space<vmem>>, vector<1x16xf32>,
        %scan3A_381 = arith.constant 6 : i32
        %scan3A_382 = arith.addi %scan3A_299, %scan3A_381 : i32
        %mul3A_383 = arith.constant 1 : i32
        %mul3A_384 = arith.muli %scan3A_382, %mul3A_383 : i32
        %add3A_385 = arith.constant 0 : i32
        %add3A_386 = arith.addi %add3A_385, %mul3A_384 : i32
        %mul3A_387 = arith.constant 16 : i32
        %mul3A_388 = arith.muli %add3A_386, %mul3A_387 : i32
        %swap3A_389 = arith.constant 3 : i32
        %swap3A_390 = arith.index_cast %swap3A_389 : i32 to index
        %swap3A_391 = arith.index_cast %mul3A_388 : i32 to index
        %swap3A_392 = tpu.vector_load %arg5[%swap3A_390, %swap3A_391] {strides = array<i32>} : memref<8x4096xf32, #tpu.memory_space<vmem>>, vector<1x16xf32>,
        %swap3A_393 = vector.shape_cast %swap3A_392 : vector<1x16xf32> to vector<16xf32>
        %swap3A_394 = vector.shape_cast %get3A_90 : vector<16xf32> to vector<1x16xf32>
        tpu.vector_store %arg5[%swap3A_390, %swap3A_391], %swap3A_394 {add = true, strides = array<i32>} : memref<8x4096xf32, #tpu.memory_space<vmem>>, vector<1x16xf32>,
        %scan3A_395 = arith.constant 7 : i32
        %scan3A_396 = arith.addi %scan3A_299, %scan3A_395 : i32
        %mul3A_397 = arith.constant 1 : i32
        %mul3A_398 = arith.muli %scan3A_396, %mul3A_397 : i32
        %add3A_399 = arith.constant 0 : i32
        %add3A_400 = arith.addi %add3A_399, %mul3A_398 : i32
        %mul3A_401 = arith.constant 16 : i32
        %mul3A_402 = arith.muli %add3A_400, %mul3A_401 : i32
        %swap3A_403 = arith.constant 3 : i32
        %swap3A_404 = arith.index_cast %swap3A_403 : i32 to index
        %swap3A_405 = arith.index_cast %mul3A_402 : i32 to index
        %swap3A_406 = tpu.vector_load %arg5[%swap3A_404, %swap3A_405] {strides = array<i32>} : memref<8x4096xf32, #tpu.memory_space<vmem>>, vector<1x16xf32>,
        %swap3A_407 = vector.shape_cast %swap3A_406 : vector<1x16xf32> to vector<16xf32>
        %swap3A_408 = vector.shape_cast %get3A_90 : vector<16xf32> to vector<1x16xf32>
        tpu.vector_store %arg5[%swap3A_404, %swap3A_405], %swap3A_408 {add = true, strides = array<i32>} : memref<8x4096xf32, #tpu.memory_space<vmem>>, vector<1x16xf32>,
      }
      %scan3A_95 = arith.constant 256 : i32
      %mul3A_96 = arith.constant 8 : i32
      %mul3A_97 = arith.muli %add3A_25, %mul3A_96 : i32
      %add3A_98 = arith.constant 4 : i32
      %add3A_99 = arith.addi %mul3A_97, %add3A_98 : i32
      %mul3A_100 = arith.constant 16 : i32
      %mul3A_101 = arith.muli %add3A_99, %mul3A_100 : i32
      %get3A_102 = arith.index_cast %mul3A_101 : i32 to index
      %get3A_103 = tpu.vector_load %arg7[%get3A_102] {strides = array<i32>} : memref<6400xf32, #tpu.memory_space<vmem>>, vector<16xf32>,
      %get3A_104 = vector.shape_cast %get3A_103 : vector<16xf32> to vector<16xf32>
      %scan3A_105 = arith.constant 0 : i32
      %scan3A_106 = arith.constant 256 : i32
      %scan3A_107 = arith.addi %scan3A_105, %scan3A_106 : i32
      %scan3A_108 = arith.constant 8 : i32
      scf.for %scan3A_299 = %scan3A_105 to %scan3A_107 step %scan3A_108  : i32 {
        %mul3A_300 = arith.constant 1 : i32
        %mul3A_301 = arith.muli %scan3A_299, %mul3A_300 : i32
        %add3A_302 = arith.constant 0 : i32
        %add3A_303 = arith.addi %add3A_302, %mul3A_301 : i32
        %mul3A_304 = arith.constant 16 : i32
        %mul3A_305 = arith.muli %add3A_303, %mul3A_304 : i32
        %swap3A = arith.constant 4 : i32
        %swap3A_306 = arith.index_cast %swap3A : i32 to index
        %swap3A_307 = arith.index_cast %mul3A_305 : i32 to index
        %swap3A_308 = tpu.vector_load %arg5[%swap3A_306, %swap3A_307] {strides = array<i32>} : memref<8x4096xf32, #tpu.memory_space<vmem>>, vector<1x16xf32>,
        %swap3A_309 = vector.shape_cast %swap3A_308 : vector<1x16xf32> to vector<16xf32>
        %swap3A_310 = vector.shape_cast %get3A_104 : vector<16xf32> to vector<1x16xf32>
        tpu.vector_store %arg5[%swap3A_306, %swap3A_307], %swap3A_310 {add = true, strides = array<i32>} : memref<8x4096xf32, #tpu.memory_space<vmem>>, vector<1x16xf32>,
        %scan3A_311 = arith.constant 1 : i32
        %scan3A_312 = arith.addi %scan3A_299, %scan3A_311 : i32
        %mul3A_313 = arith.constant 1 : i32
        %mul3A_314 = arith.muli %scan3A_312, %mul3A_313 : i32
        %add3A_315 = arith.constant 0 : i32
        %add3A_316 = arith.addi %add3A_315, %mul3A_314 : i32
        %mul3A_317 = arith.constant 16 : i32
        %mul3A_318 = arith.muli %add3A_316, %mul3A_317 : i32
        %swap3A_319 = arith.constant 4 : i32
        %swap3A_320 = arith.index_cast %swap3A_319 : i32 to index
        %swap3A_321 = arith.index_cast %mul3A_318 : i32 to index
        %swap3A_322 = tpu.vector_load %arg5[%swap3A_320, %swap3A_321] {strides = array<i32>} : memref<8x4096xf32, #tpu.memory_space<vmem>>, vector<1x16xf32>,
        %swap3A_323 = vector.shape_cast %swap3A_322 : vector<1x16xf32> to vector<16xf32>
        %swap3A_324 = vector.shape_cast %get3A_104 : vector<16xf32> to vector<1x16xf32>
        tpu.vector_store %arg5[%swap3A_320, %swap3A_321], %swap3A_324 {add = true, strides = array<i32>} : memref<8x4096xf32, #tpu.memory_space<vmem>>, vector<1x16xf32>,
        %scan3A_325 = arith.constant 2 : i32
        %scan3A_326 = arith.addi %scan3A_299, %scan3A_325 : i32
        %mul3A_327 = arith.constant 1 : i32
        %mul3A_328 = arith.muli %scan3A_326, %mul3A_327 : i32
        %add3A_329 = arith.constant 0 : i32
        %add3A_330 = arith.addi %add3A_329, %mul3A_328 : i32
        %mul3A_331 = arith.constant 16 : i32
        %mul3A_332 = arith.muli %add3A_330, %mul3A_331 : i32
        %swap3A_333 = arith.constant 4 : i32
        %swap3A_334 = arith.index_cast %swap3A_333 : i32 to index
        %swap3A_335 = arith.index_cast %mul3A_332 : i32 to index
        %swap3A_336 = tpu.vector_load %arg5[%swap3A_334, %swap3A_335] {strides = array<i32>} : memref<8x4096xf32, #tpu.memory_space<vmem>>, vector<1x16xf32>,
        %swap3A_337 = vector.shape_cast %swap3A_336 : vector<1x16xf32> to vector<16xf32>
        %swap3A_338 = vector.shape_cast %get3A_104 : vector<16xf32> to vector<1x16xf32>
        tpu.vector_store %arg5[%swap3A_334, %swap3A_335], %swap3A_338 {add = true, strides = array<i32>} : memref<8x4096xf32, #tpu.memory_space<vmem>>, vector<1x16xf32>,
        %scan3A_339 = arith.constant 3 : i32
        %scan3A_340 = arith.addi %scan3A_299, %scan3A_339 : i32
        %mul3A_341 = arith.constant 1 : i32
        %mul3A_342 = arith.muli %scan3A_340, %mul3A_341 : i32
        %add3A_343 = arith.constant 0 : i32
        %add3A_344 = arith.addi %add3A_343, %mul3A_342 : i32
        %mul3A_345 = arith.constant 16 : i32
        %mul3A_346 = arith.muli %add3A_344, %mul3A_345 : i32
        %swap3A_347 = arith.constant 4 : i32
        %swap3A_348 = arith.index_cast %swap3A_347 : i32 to index
        %swap3A_349 = arith.index_cast %mul3A_346 : i32 to index
        %swap3A_350 = tpu.vector_load %arg5[%swap3A_348, %swap3A_349] {strides = array<i32>} : memref<8x4096xf32, #tpu.memory_space<vmem>>, vector<1x16xf32>,
        %swap3A_351 = vector.shape_cast %swap3A_350 : vector<1x16xf32> to vector<16xf32>
        %swap3A_352 = vector.shape_cast %get3A_104 : vector<16xf32> to vector<1x16xf32>
        tpu.vector_store %arg5[%swap3A_348, %swap3A_349], %swap3A_352 {add = true, strides = array<i32>} : memref<8x4096xf32, #tpu.memory_space<vmem>>, vector<1x16xf32>,
        %scan3A_353 = arith.constant 4 : i32
        %scan3A_354 = arith.addi %scan3A_299, %scan3A_353 : i32
        %mul3A_355 = arith.constant 1 : i32
        %mul3A_356 = arith.muli %scan3A_354, %mul3A_355 : i32
        %add3A_357 = arith.constant 0 : i32
        %add3A_358 = arith.addi %add3A_357, %mul3A_356 : i32
        %mul3A_359 = arith.constant 16 : i32
        %mul3A_360 = arith.muli %add3A_358, %mul3A_359 : i32
        %swap3A_361 = arith.constant 4 : i32
        %swap3A_362 = arith.index_cast %swap3A_361 : i32 to index
        %swap3A_363 = arith.index_cast %mul3A_360 : i32 to index
        %swap3A_364 = tpu.vector_load %arg5[%swap3A_362, %swap3A_363] {strides = array<i32>} : memref<8x4096xf32, #tpu.memory_space<vmem>>, vector<1x16xf32>,
        %swap3A_365 = vector.shape_cast %swap3A_364 : vector<1x16xf32> to vector<16xf32>
        %swap3A_366 = vector.shape_cast %get3A_104 : vector<16xf32> to vector<1x16xf32>
        tpu.vector_store %arg5[%swap3A_362, %swap3A_363], %swap3A_366 {add = true, strides = array<i32>} : memref<8x4096xf32, #tpu.memory_space<vmem>>, vector<1x16xf32>,
        %scan3A_367 = arith.constant 5 : i32
        %scan3A_368 = arith.addi %scan3A_299, %scan3A_367 : i32
        %mul3A_369 = arith.constant 1 : i32
        %mul3A_370 = arith.muli %scan3A_368, %mul3A_369 : i32
        %add3A_371 = arith.constant 0 : i32
        %add3A_372 = arith.addi %add3A_371, %mul3A_370 : i32
        %mul3A_373 = arith.constant 16 : i32
        %mul3A_374 = arith.muli %add3A_372, %mul3A_373 : i32
        %swap3A_375 = arith.constant 4 : i32
        %swap3A_376 = arith.index_cast %swap3A_375 : i32 to index
        %swap3A_377 = arith.index_cast %mul3A_374 : i32 to index
        %swap3A_378 = tpu.vector_load %arg5[%swap3A_376, %swap3A_377] {strides = array<i32>} : memref<8x4096xf32, #tpu.memory_space<vmem>>, vector<1x16xf32>,
        %swap3A_379 = vector.shape_cast %swap3A_378 : vector<1x16xf32> to vector<16xf32>
        %swap3A_380 = vector.shape_cast %get3A_104 : vector<16xf32> to vector<1x16xf32>
        tpu.vector_store %arg5[%swap3A_376, %swap3A_377], %swap3A_380 {add = true, strides = array<i32>} : memref<8x4096xf32, #tpu.memory_space<vmem>>, vector<1x16xf32>,
        %scan3A_381 = arith.constant 6 : i32
        %scan3A_382 = arith.addi %scan3A_299, %scan3A_381 : i32
        %mul3A_383 = arith.constant 1 : i32
        %mul3A_384 = arith.muli %scan3A_382, %mul3A_383 : i32
        %add3A_385 = arith.constant 0 : i32
        %add3A_386 = arith.addi %add3A_385, %mul3A_384 : i32
        %mul3A_387 = arith.constant 16 : i32
        %mul3A_388 = arith.muli %add3A_386, %mul3A_387 : i32
        %swap3A_389 = arith.constant 4 : i32
        %swap3A_390 = arith.index_cast %swap3A_389 : i32 to index
        %swap3A_391 = arith.index_cast %mul3A_388 : i32 to index
        %swap3A_392 = tpu.vector_load %arg5[%swap3A_390, %swap3A_391] {strides = array<i32>} : memref<8x4096xf32, #tpu.memory_space<vmem>>, vector<1x16xf32>,
        %swap3A_393 = vector.shape_cast %swap3A_392 : vector<1x16xf32> to vector<16xf32>
        %swap3A_394 = vector.shape_cast %get3A_104 : vector<16xf32> to vector<1x16xf32>
        tpu.vector_store %arg5[%swap3A_390, %swap3A_391], %swap3A_394 {add = true, strides = array<i32>} : memref<8x4096xf32, #tpu.memory_space<vmem>>, vector<1x16xf32>,
        %scan3A_395 = arith.constant 7 : i32
        %scan3A_396 = arith.addi %scan3A_299, %scan3A_395 : i32
        %mul3A_397 = arith.constant 1 : i32
        %mul3A_398 = arith.muli %scan3A_396, %mul3A_397 : i32
        %add3A_399 = arith.constant 0 : i32
        %add3A_400 = arith.addi %add3A_399, %mul3A_398 : i32
        %mul3A_401 = arith.constant 16 : i32
        %mul3A_402 = arith.muli %add3A_400, %mul3A_401 : i32
        %swap3A_403 = arith.constant 4 : i32
        %swap3A_404 = arith.index_cast %swap3A_403 : i32 to index
        %swap3A_405 = arith.index_cast %mul3A_402 : i32 to index
        %swap3A_406 = tpu.vector_load %arg5[%swap3A_404, %swap3A_405] {strides = array<i32>} : memref<8x4096xf32, #tpu.memory_space<vmem>>, vector<1x16xf32>,
        %swap3A_407 = vector.shape_cast %swap3A_406 : vector<1x16xf32> to vector<16xf32>
        %swap3A_408 = vector.shape_cast %get3A_104 : vector<16xf32> to vector<1x16xf32>
        tpu.vector_store %arg5[%swap3A_404, %swap3A_405], %swap3A_408 {add = true, strides = array<i32>} : memref<8x4096xf32, #tpu.memory_space<vmem>>, vector<1x16xf32>,
      }
      %scan3A_109 = arith.constant 256 : i32
      %mul3A_110 = arith.constant 8 : i32
      %mul3A_111 = arith.muli %add3A_25, %mul3A_110 : i32
      %add3A_112 = arith.constant 5 : i32
      %add3A_113 = arith.addi %mul3A_111, %add3A_112 : i32
      %mul3A_114 = arith.constant 16 : i32
      %mul3A_115 = arith.muli %add3A_113, %mul3A_114 : i32
      %get3A_116 = arith.index_cast %mul3A_115 : i32 to index
      %get3A_117 = tpu.vector_load %arg7[%get3A_116] {strides = array<i32>} : memref<6400xf32, #tpu.memory_space<vmem>>, vector<16xf32>,
      %get3A_118 = vector.shape_cast %get3A_117 : vector<16xf32> to vector<16xf32>
      %scan3A_119 = arith.constant 0 : i32
      %scan3A_120 = arith.constant 256 : i32
      %scan3A_121 = arith.addi %scan3A_119, %scan3A_120 : i32
      %scan3A_122 = arith.constant 8 : i32
      scf.for %scan3A_299 = %scan3A_119 to %scan3A_121 step %scan3A_122  : i32 {
        %mul3A_300 = arith.constant 1 : i32
        %mul3A_301 = arith.muli %scan3A_299, %mul3A_300 : i32
        %add3A_302 = arith.constant 0 : i32
        %add3A_303 = arith.addi %add3A_302, %mul3A_301 : i32
        %mul3A_304 = arith.constant 16 : i32
        %mul3A_305 = arith.muli %add3A_303, %mul3A_304 : i32
        %swap3A = arith.constant 5 : i32
        %swap3A_306 = arith.index_cast %swap3A : i32 to index
        %swap3A_307 = arith.index_cast %mul3A_305 : i32 to index
        %swap3A_308 = tpu.vector_load %arg5[%swap3A_306, %swap3A_307] {strides = array<i32>} : memref<8x4096xf32, #tpu.memory_space<vmem>>, vector<1x16xf32>,
        %swap3A_309 = vector.shape_cast %swap3A_308 : vector<1x16xf32> to vector<16xf32>
        %swap3A_310 = vector.shape_cast %get3A_118 : vector<16xf32> to vector<1x16xf32>
        tpu.vector_store %arg5[%swap3A_306, %swap3A_307], %swap3A_310 {add = true, strides = array<i32>} : memref<8x4096xf32, #tpu.memory_space<vmem>>, vector<1x16xf32>,
        %scan3A_311 = arith.constant 1 : i32
        %scan3A_312 = arith.addi %scan3A_299, %scan3A_311 : i32
        %mul3A_313 = arith.constant 1 : i32
        %mul3A_314 = arith.muli %scan3A_312, %mul3A_313 : i32
        %add3A_315 = arith.constant 0 : i32
        %add3A_316 = arith.addi %add3A_315, %mul3A_314 : i32
        %mul3A_317 = arith.constant 16 : i32
        %mul3A_318 = arith.muli %add3A_316, %mul3A_317 : i32
        %swap3A_319 = arith.constant 5 : i32
        %swap3A_320 = arith.index_cast %swap3A_319 : i32 to index
        %swap3A_321 = arith.index_cast %mul3A_318 : i32 to index
        %swap3A_322 = tpu.vector_load %arg5[%swap3A_320, %swap3A_321] {strides = array<i32>} : memref<8x4096xf32, #tpu.memory_space<vmem>>, vector<1x16xf32>,
        %swap3A_323 = vector.shape_cast %swap3A_322 : vector<1x16xf32> to vector<16xf32>
        %swap3A_324 = vector.shape_cast %get3A_118 : vector<16xf32> to vector<1x16xf32>
        tpu.vector_store %arg5[%swap3A_320, %swap3A_321], %swap3A_324 {add = true, strides = array<i32>} : memref<8x4096xf32, #tpu.memory_space<vmem>>, vector<1x16xf32>,
        %scan3A_325 = arith.constant 2 : i32
        %scan3A_326 = arith.addi %scan3A_299, %scan3A_325 : i32
        %mul3A_327 = arith.constant 1 : i32
        %mul3A_328 = arith.muli %scan3A_326, %mul3A_327 : i32
        %add3A_329 = arith.constant 0 : i32
        %add3A_330 = arith.addi %add3A_329, %mul3A_328 : i32
        %mul3A_331 = arith.constant 16 : i32
        %mul3A_332 = arith.muli %add3A_330, %mul3A_331 : i32
        %swap3A_333 = arith.constant 5 : i32
        %swap3A_334 = arith.index_cast %swap3A_333 : i32 to index
        %swap3A_335 = arith.index_cast %mul3A_332 : i32 to index
        %swap3A_336 = tpu.vector_load %arg5[%swap3A_334, %swap3A_335] {strides = array<i32>} : memref<8x4096xf32, #tpu.memory_space<vmem>>, vector<1x16xf32>,
        %swap3A_337 = vector.shape_cast %swap3A_336 : vector<1x16xf32> to vector<16xf32>
        %swap3A_338 = vector.shape_cast %get3A_118 : vector<16xf32> to vector<1x16xf32>
        tpu.vector_store %arg5[%swap3A_334, %swap3A_335], %swap3A_338 {add = true, strides = array<i32>} : memref<8x4096xf32, #tpu.memory_space<vmem>>, vector<1x16xf32>,
        %scan3A_339 = arith.constant 3 : i32
        %scan3A_340 = arith.addi %scan3A_299, %scan3A_339 : i32
        %mul3A_341 = arith.constant 1 : i32
        %mul3A_342 = arith.muli %scan3A_340, %mul3A_341 : i32
        %add3A_343 = arith.constant 0 : i32
        %add3A_344 = arith.addi %add3A_343, %mul3A_342 : i32
        %mul3A_345 = arith.constant 16 : i32
        %mul3A_346 = arith.muli %add3A_344, %mul3A_345 : i32
        %swap3A_347 = arith.constant 5 : i32
        %swap3A_348 = arith.index_cast %swap3A_347 : i32 to index
        %swap3A_349 = arith.index_cast %mul3A_346 : i32 to index
        %swap3A_350 = tpu.vector_load %arg5[%swap3A_348, %swap3A_349] {strides = array<i32>} : memref<8x4096xf32, #tpu.memory_space<vmem>>, vector<1x16xf32>,
        %swap3A_351 = vector.shape_cast %swap3A_350 : vector<1x16xf32> to vector<16xf32>
        %swap3A_352 = vector.shape_cast %get3A_118 : vector<16xf32> to vector<1x16xf32>
        tpu.vector_store %arg5[%swap3A_348, %swap3A_349], %swap3A_352 {add = true, strides = array<i32>} : memref<8x4096xf32, #tpu.memory_space<vmem>>, vector<1x16xf32>,
        %scan3A_353 = arith.constant 4 : i32
        %scan3A_354 = arith.addi %scan3A_299, %scan3A_353 : i32
        %mul3A_355 = arith.constant 1 : i32
        %mul3A_356 = arith.muli %scan3A_354, %mul3A_355 : i32
        %add3A_357 = arith.constant 0 : i32
        %add3A_358 = arith.addi %add3A_357, %mul3A_356 : i32
        %mul3A_359 = arith.constant 16 : i32
        %mul3A_360 = arith.muli %add3A_358, %mul3A_359 : i32
        %swap3A_361 = arith.constant 5 : i32
        %swap3A_362 = arith.index_cast %swap3A_361 : i32 to index
        %swap3A_363 = arith.index_cast %mul3A_360 : i32 to index
        %swap3A_364 = tpu.vector_load %arg5[%swap3A_362, %swap3A_363] {strides = array<i32>} : memref<8x4096xf32, #tpu.memory_space<vmem>>, vector<1x16xf32>,
        %swap3A_365 = vector.shape_cast %swap3A_364 : vector<1x16xf32> to vector<16xf32>
        %swap3A_366 = vector.shape_cast %get3A_118 : vector<16xf32> to vector<1x16xf32>
        tpu.vector_store %arg5[%swap3A_362, %swap3A_363], %swap3A_366 {add = true, strides = array<i32>} : memref<8x4096xf32, #tpu.memory_space<vmem>>, vector<1x16xf32>,
        %scan3A_367 = arith.constant 5 : i32
        %scan3A_368 = arith.addi %scan3A_299, %scan3A_367 : i32
        %mul3A_369 = arith.constant 1 : i32
        %mul3A_370 = arith.muli %scan3A_368, %mul3A_369 : i32
        %add3A_371 = arith.constant 0 : i32
        %add3A_372 = arith.addi %add3A_371, %mul3A_370 : i32
        %mul3A_373 = arith.constant 16 : i32
        %mul3A_374 = arith.muli %add3A_372, %mul3A_373 : i32
        %swap3A_375 = arith.constant 5 : i32
        %swap3A_376 = arith.index_cast %swap3A_375 : i32 to index
        %swap3A_377 = arith.index_cast %mul3A_374 : i32 to index
        %swap3A_378 = tpu.vector_load %arg5[%swap3A_376, %swap3A_377] {strides = array<i32>} : memref<8x4096xf32, #tpu.memory_space<vmem>>, vector<1x16xf32>,
        %swap3A_379 = vector.shape_cast %swap3A_378 : vector<1x16xf32> to vector<16xf32>
        %swap3A_380 = vector.shape_cast %get3A_118 : vector<16xf32> to vector<1x16xf32>
        tpu.vector_store %arg5[%swap3A_376, %swap3A_377], %swap3A_380 {add = true, strides = array<i32>} : memref<8x4096xf32, #tpu.memory_space<vmem>>, vector<1x16xf32>,
        %scan3A_381 = arith.constant 6 : i32
        %scan3A_382 = arith.addi %scan3A_299, %scan3A_381 : i32
        %mul3A_383 = arith.constant 1 : i32
        %mul3A_384 = arith.muli %scan3A_382, %mul3A_383 : i32
        %add3A_385 = arith.constant 0 : i32
        %add3A_386 = arith.addi %add3A_385, %mul3A_384 : i32
        %mul3A_387 = arith.constant 16 : i32
        %mul3A_388 = arith.muli %add3A_386, %mul3A_387 : i32
        %swap3A_389 = arith.constant 5 : i32
        %swap3A_390 = arith.index_cast %swap3A_389 : i32 to index
        %swap3A_391 = arith.index_cast %mul3A_388 : i32 to index
        %swap3A_392 = tpu.vector_load %arg5[%swap3A_390, %swap3A_391] {strides = array<i32>} : memref<8x4096xf32, #tpu.memory_space<vmem>>, vector<1x16xf32>,
        %swap3A_393 = vector.shape_cast %swap3A_392 : vector<1x16xf32> to vector<16xf32>
        %swap3A_394 = vector.shape_cast %get3A_118 : vector<16xf32> to vector<1x16xf32>
        tpu.vector_store %arg5[%swap3A_390, %swap3A_391], %swap3A_394 {add = true, strides = array<i32>} : memref<8x4096xf32, #tpu.memory_space<vmem>>, vector<1x16xf32>,
        %scan3A_395 = arith.constant 7 : i32
        %scan3A_396 = arith.addi %scan3A_299, %scan3A_395 : i32
        %mul3A_397 = arith.constant 1 : i32
        %mul3A_398 = arith.muli %scan3A_396, %mul3A_397 : i32
        %add3A_399 = arith.constant 0 : i32
        %add3A_400 = arith.addi %add3A_399, %mul3A_398 : i32
        %mul3A_401 = arith.constant 16 : i32
        %mul3A_402 = arith.muli %add3A_400, %mul3A_401 : i32
        %swap3A_403 = arith.constant 5 : i32
        %swap3A_404 = arith.index_cast %swap3A_403 : i32 to index
        %swap3A_405 = arith.index_cast %mul3A_402 : i32 to index
        %swap3A_406 = tpu.vector_load %arg5[%swap3A_404, %swap3A_405] {strides = array<i32>} : memref<8x4096xf32, #tpu.memory_space<vmem>>, vector<1x16xf32>,
        %swap3A_407 = vector.shape_cast %swap3A_406 : vector<1x16xf32> to vector<16xf32>
        %swap3A_408 = vector.shape_cast %get3A_118 : vector<16xf32> to vector<1x16xf32>
        tpu.vector_store %arg5[%swap3A_404, %swap3A_405], %swap3A_408 {add = true, strides = array<i32>} : memref<8x4096xf32, #tpu.memory_space<vmem>>, vector<1x16xf32>,
      }
      %scan3A_123 = arith.constant 256 : i32
      %mul3A_124 = arith.constant 8 : i32
      %mul3A_125 = arith.muli %add3A_25, %mul3A_124 : i32
      %add3A_126 = arith.constant 6 : i32
      %add3A_127 = arith.addi %mul3A_125, %add3A_126 : i32
      %mul3A_128 = arith.constant 16 : i32
      %mul3A_129 = arith.muli %add3A_127, %mul3A_128 : i32
      %get3A_130 = arith.index_cast %mul3A_129 : i32 to index
      %get3A_131 = tpu.vector_load %arg7[%get3A_130] {strides = array<i32>} : memref<6400xf32, #tpu.memory_space<vmem>>, vector<16xf32>,
      %get3A_132 = vector.shape_cast %get3A_131 : vector<16xf32> to vector<16xf32>
      %scan3A_133 = arith.constant 0 : i32
      %scan3A_134 = arith.constant 256 : i32
      %scan3A_135 = arith.addi %scan3A_133, %scan3A_134 : i32
      %scan3A_136 = arith.constant 8 : i32
      scf.for %scan3A_299 = %scan3A_133 to %scan3A_135 step %scan3A_136  : i32 {
        %mul3A_300 = arith.constant 1 : i32
        %mul3A_301 = arith.muli %scan3A_299, %mul3A_300 : i32
        %add3A_302 = arith.constant 0 : i32
        %add3A_303 = arith.addi %add3A_302, %mul3A_301 : i32
        %mul3A_304 = arith.constant 16 : i32
        %mul3A_305 = arith.muli %add3A_303, %mul3A_304 : i32
        %swap3A = arith.constant 6 : i32
        %swap3A_306 = arith.index_cast %swap3A : i32 to index
        %swap3A_307 = arith.index_cast %mul3A_305 : i32 to index
        %swap3A_308 = tpu.vector_load %arg5[%swap3A_306, %swap3A_307] {strides = array<i32>} : memref<8x4096xf32, #tpu.memory_space<vmem>>, vector<1x16xf32>,
        %swap3A_309 = vector.shape_cast %swap3A_308 : vector<1x16xf32> to vector<16xf32>
        %swap3A_310 = vector.shape_cast %get3A_132 : vector<16xf32> to vector<1x16xf32>
        tpu.vector_store %arg5[%swap3A_306, %swap3A_307], %swap3A_310 {add = true, strides = array<i32>} : memref<8x4096xf32, #tpu.memory_space<vmem>>, vector<1x16xf32>,
        %scan3A_311 = arith.constant 1 : i32
        %scan3A_312 = arith.addi %scan3A_299, %scan3A_311 : i32
        %mul3A_313 = arith.constant 1 : i32
        %mul3A_314 = arith.muli %scan3A_312, %mul3A_313 : i32
        %add3A_315 = arith.constant 0 : i32
        %add3A_316 = arith.addi %add3A_315, %mul3A_314 : i32
        %mul3A_317 = arith.constant 16 : i32
        %mul3A_318 = arith.muli %add3A_316, %mul3A_317 : i32
        %swap3A_319 = arith.constant 6 : i32
        %swap3A_320 = arith.index_cast %swap3A_319 : i32 to index
        %swap3A_321 = arith.index_cast %mul3A_318 : i32 to index
        %swap3A_322 = tpu.vector_load %arg5[%swap3A_320, %swap3A_321] {strides = array<i32>} : memref<8x4096xf32, #tpu.memory_space<vmem>>, vector<1x16xf32>,
        %swap3A_323 = vector.shape_cast %swap3A_322 : vector<1x16xf32> to vector<16xf32>
        %swap3A_324 = vector.shape_cast %get3A_132 : vector<16xf32> to vector<1x16xf32>
        tpu.vector_store %arg5[%swap3A_320, %swap3A_321], %swap3A_324 {add = true, strides = array<i32>} : memref<8x4096xf32, #tpu.memory_space<vmem>>, vector<1x16xf32>,
        %scan3A_325 = arith.constant 2 : i32
        %scan3A_326 = arith.addi %scan3A_299, %scan3A_325 : i32
        %mul3A_327 = arith.constant 1 : i32
        %mul3A_328 = arith.muli %scan3A_326, %mul3A_327 : i32
        %add3A_329 = arith.constant 0 : i32
        %add3A_330 = arith.addi %add3A_329, %mul3A_328 : i32
        %mul3A_331 = arith.constant 16 : i32
        %mul3A_332 = arith.muli %add3A_330, %mul3A_331 : i32
        %swap3A_333 = arith.constant 6 : i32
        %swap3A_334 = arith.index_cast %swap3A_333 : i32 to index
        %swap3A_335 = arith.index_cast %mul3A_332 : i32 to index
        %swap3A_336 = tpu.vector_load %arg5[%swap3A_334, %swap3A_335] {strides = array<i32>} : memref<8x4096xf32, #tpu.memory_space<vmem>>, vector<1x16xf32>,
        %swap3A_337 = vector.shape_cast %swap3A_336 : vector<1x16xf32> to vector<16xf32>
        %swap3A_338 = vector.shape_cast %get3A_132 : vector<16xf32> to vector<1x16xf32>
        tpu.vector_store %arg5[%swap3A_334, %swap3A_335], %swap3A_338 {add = true, strides = array<i32>} : memref<8x4096xf32, #tpu.memory_space<vmem>>, vector<1x16xf32>,
        %scan3A_339 = arith.constant 3 : i32
        %scan3A_340 = arith.addi %scan3A_299, %scan3A_339 : i32
        %mul3A_341 = arith.constant 1 : i32
        %mul3A_342 = arith.muli %scan3A_340, %mul3A_341 : i32
        %add3A_343 = arith.constant 0 : i32
        %add3A_344 = arith.addi %add3A_343, %mul3A_342 : i32
        %mul3A_345 = arith.constant 16 : i32
        %mul3A_346 = arith.muli %add3A_344, %mul3A_345 : i32
        %swap3A_347 = arith.constant 6 : i32
        %swap3A_348 = arith.index_cast %swap3A_347 : i32 to index
        %swap3A_349 = arith.index_cast %mul3A_346 : i32 to index
        %swap3A_350 = tpu.vector_load %arg5[%swap3A_348, %swap3A_349] {strides = array<i32>} : memref<8x4096xf32, #tpu.memory_space<vmem>>, vector<1x16xf32>,
        %swap3A_351 = vector.shape_cast %swap3A_350 : vector<1x16xf32> to vector<16xf32>
        %swap3A_352 = vector.shape_cast %get3A_132 : vector<16xf32> to vector<1x16xf32>
        tpu.vector_store %arg5[%swap3A_348, %swap3A_349], %swap3A_352 {add = true, strides = array<i32>} : memref<8x4096xf32, #tpu.memory_space<vmem>>, vector<1x16xf32>,
        %scan3A_353 = arith.constant 4 : i32
        %scan3A_354 = arith.addi %scan3A_299, %scan3A_353 : i32
        %mul3A_355 = arith.constant 1 : i32
        %mul3A_356 = arith.muli %scan3A_354, %mul3A_355 : i32
        %add3A_357 = arith.constant 0 : i32
        %add3A_358 = arith.addi %add3A_357, %mul3A_356 : i32
        %mul3A_359 = arith.constant 16 : i32
        %mul3A_360 = arith.muli %add3A_358, %mul3A_359 : i32
        %swap3A_361 = arith.constant 6 : i32
        %swap3A_362 = arith.index_cast %swap3A_361 : i32 to index
        %swap3A_363 = arith.index_cast %mul3A_360 : i32 to index
        %swap3A_364 = tpu.vector_load %arg5[%swap3A_362, %swap3A_363] {strides = array<i32>} : memref<8x4096xf32, #tpu.memory_space<vmem>>, vector<1x16xf32>,
        %swap3A_365 = vector.shape_cast %swap3A_364 : vector<1x16xf32> to vector<16xf32>
        %swap3A_366 = vector.shape_cast %get3A_132 : vector<16xf32> to vector<1x16xf32>
        tpu.vector_store %arg5[%swap3A_362, %swap3A_363], %swap3A_366 {add = true, strides = array<i32>} : memref<8x4096xf32, #tpu.memory_space<vmem>>, vector<1x16xf32>,
        %scan3A_367 = arith.constant 5 : i32
        %scan3A_368 = arith.addi %scan3A_299, %scan3A_367 : i32
        %mul3A_369 = arith.constant 1 : i32
        %mul3A_370 = arith.muli %scan3A_368, %mul3A_369 : i32
        %add3A_371 = arith.constant 0 : i32
        %add3A_372 = arith.addi %add3A_371, %mul3A_370 : i32
        %mul3A_373 = arith.constant 16 : i32
        %mul3A_374 = arith.muli %add3A_372, %mul3A_373 : i32
        %swap3A_375 = arith.constant 6 : i32
        %swap3A_376 = arith.index_cast %swap3A_375 : i32 to index
        %swap3A_377 = arith.index_cast %mul3A_374 : i32 to index
        %swap3A_378 = tpu.vector_load %arg5[%swap3A_376, %swap3A_377] {strides = array<i32>} : memref<8x4096xf32, #tpu.memory_space<vmem>>, vector<1x16xf32>,
        %swap3A_379 = vector.shape_cast %swap3A_378 : vector<1x16xf32> to vector<16xf32>
        %swap3A_380 = vector.shape_cast %get3A_132 : vector<16xf32> to vector<1x16xf32>
        tpu.vector_store %arg5[%swap3A_376, %swap3A_377], %swap3A_380 {add = true, strides = array<i32>} : memref<8x4096xf32, #tpu.memory_space<vmem>>, vector<1x16xf32>,
        %scan3A_381 = arith.constant 6 : i32
        %scan3A_382 = arith.addi %scan3A_299, %scan3A_381 : i32
        %mul3A_383 = arith.constant 1 : i32
        %mul3A_384 = arith.muli %scan3A_382, %mul3A_383 : i32
        %add3A_385 = arith.constant 0 : i32
        %add3A_386 = arith.addi %add3A_385, %mul3A_384 : i32
        %mul3A_387 = arith.constant 16 : i32
        %mul3A_388 = arith.muli %add3A_386, %mul3A_387 : i32
        %swap3A_389 = arith.constant 6 : i32
        %swap3A_390 = arith.index_cast %swap3A_389 : i32 to index
        %swap3A_391 = arith.index_cast %mul3A_388 : i32 to index
        %swap3A_392 = tpu.vector_load %arg5[%swap3A_390, %swap3A_391] {strides = array<i32>} : memref<8x4096xf32, #tpu.memory_space<vmem>>, vector<1x16xf32>,
        %swap3A_393 = vector.shape_cast %swap3A_392 : vector<1x16xf32> to vector<16xf32>
        %swap3A_394 = vector.shape_cast %get3A_132 : vector<16xf32> to vector<1x16xf32>
        tpu.vector_store %arg5[%swap3A_390, %swap3A_391], %swap3A_394 {add = true, strides = array<i32>} : memref<8x4096xf32, #tpu.memory_space<vmem>>, vector<1x16xf32>,
        %scan3A_395 = arith.constant 7 : i32
        %scan3A_396 = arith.addi %scan3A_299, %scan3A_395 : i32
        %mul3A_397 = arith.constant 1 : i32
        %mul3A_398 = arith.muli %scan3A_396, %mul3A_397 : i32
        %add3A_399 = arith.constant 0 : i32
        %add3A_400 = arith.addi %add3A_399, %mul3A_398 : i32
        %mul3A_401 = arith.constant 16 : i32
        %mul3A_402 = arith.muli %add3A_400, %mul3A_401 : i32
        %swap3A_403 = arith.constant 6 : i32
        %swap3A_404 = arith.index_cast %swap3A_403 : i32 to index
        %swap3A_405 = arith.index_cast %mul3A_402 : i32 to index
        %swap3A_406 = tpu.vector_load %arg5[%swap3A_404, %swap3A_405] {strides = array<i32>} : memref<8x4096xf32, #tpu.memory_space<vmem>>, vector<1x16xf32>,
        %swap3A_407 = vector.shape_cast %swap3A_406 : vector<1x16xf32> to vector<16xf32>
        %swap3A_408 = vector.shape_cast %get3A_132 : vector<16xf32> to vector<1x16xf32>
        tpu.vector_store %arg5[%swap3A_404, %swap3A_405], %swap3A_408 {add = true, strides = array<i32>} : memref<8x4096xf32, #tpu.memory_space<vmem>>, vector<1x16xf32>,
      }
      %scan3A_137 = arith.constant 256 : i32
      %mul3A_138 = arith.constant 8 : i32
      %mul3A_139 = arith.muli %add3A_25, %mul3A_138 : i32
      %add3A_140 = arith.constant 7 : i32
      %add3A_141 = arith.addi %mul3A_139, %add3A_140 : i32
      %mul3A_142 = arith.constant 16 : i32
      %mul3A_143 = arith.muli %add3A_141, %mul3A_142 : i32
      %get3A_144 = arith.index_cast %mul3A_143 : i32 to index
      %get3A_145 = tpu.vector_load %arg7[%get3A_144] {strides = array<i32>} : memref<6400xf32, #tpu.memory_space<vmem>>, vector<16xf32>,
      %get3A_146 = vector.shape_cast %get3A_145 : vector<16xf32> to vector<16xf32>
      %scan3A_147 = arith.constant 0 : i32
      %scan3A_148 = arith.constant 256 : i32
      %scan3A_149 = arith.addi %scan3A_147, %scan3A_148 : i32
      %scan3A_150 = arith.constant 8 : i32
      scf.for %scan3A_299 = %scan3A_147 to %scan3A_149 step %scan3A_150  : i32 {
        %mul3A_300 = arith.constant 1 : i32
        %mul3A_301 = arith.muli %scan3A_299, %mul3A_300 : i32
        %add3A_302 = arith.constant 0 : i32
        %add3A_303 = arith.addi %add3A_302, %mul3A_301 : i32
        %mul3A_304 = arith.constant 16 : i32
        %mul3A_305 = arith.muli %add3A_303, %mul3A_304 : i32
        %swap3A = arith.constant 7 : i32
        %swap3A_306 = arith.index_cast %swap3A : i32 to index
        %swap3A_307 = arith.index_cast %mul3A_305 : i32 to index
        %swap3A_308 = tpu.vector_load %arg5[%swap3A_306, %swap3A_307] {strides = array<i32>} : memref<8x4096xf32, #tpu.memory_space<vmem>>, vector<1x16xf32>,
        %swap3A_309 = vector.shape_cast %swap3A_308 : vector<1x16xf32> to vector<16xf32>
        %swap3A_310 = vector.shape_cast %get3A_146 : vector<16xf32> to vector<1x16xf32>
        tpu.vector_store %arg5[%swap3A_306, %swap3A_307], %swap3A_310 {add = true, strides = array<i32>} : memref<8x4096xf32, #tpu.memory_space<vmem>>, vector<1x16xf32>,
        %scan3A_311 = arith.constant 1 : i32
        %scan3A_312 = arith.addi %scan3A_299, %scan3A_311 : i32
        %mul3A_313 = arith.constant 1 : i32
        %mul3A_314 = arith.muli %scan3A_312, %mul3A_313 : i32
        %add3A_315 = arith.constant 0 : i32
        %add3A_316 = arith.addi %add3A_315, %mul3A_314 : i32
        %mul3A_317 = arith.constant 16 : i32
        %mul3A_318 = arith.muli %add3A_316, %mul3A_317 : i32
        %swap3A_319 = arith.constant 7 : i32
        %swap3A_320 = arith.index_cast %swap3A_319 : i32 to index
        %swap3A_321 = arith.index_cast %mul3A_318 : i32 to index
        %swap3A_322 = tpu.vector_load %arg5[%swap3A_320, %swap3A_321] {strides = array<i32>} : memref<8x4096xf32, #tpu.memory_space<vmem>>, vector<1x16xf32>,
        %swap3A_323 = vector.shape_cast %swap3A_322 : vector<1x16xf32> to vector<16xf32>
        %swap3A_324 = vector.shape_cast %get3A_146 : vector<16xf32> to vector<1x16xf32>
        tpu.vector_store %arg5[%swap3A_320, %swap3A_321], %swap3A_324 {add = true, strides = array<i32>} : memref<8x4096xf32, #tpu.memory_space<vmem>>, vector<1x16xf32>,
        %scan3A_325 = arith.constant 2 : i32
        %scan3A_326 = arith.addi %scan3A_299, %scan3A_325 : i32
        %mul3A_327 = arith.constant 1 : i32
        %mul3A_328 = arith.muli %scan3A_326, %mul3A_327 : i32
        %add3A_329 = arith.constant 0 : i32
        %add3A_330 = arith.addi %add3A_329, %mul3A_328 : i32
        %mul3A_331 = arith.constant 16 : i32
        %mul3A_332 = arith.muli %add3A_330, %mul3A_331 : i32
        %swap3A_333 = arith.constant 7 : i32
        %swap3A_334 = arith.index_cast %swap3A_333 : i32 to index
        %swap3A_335 = arith.index_cast %mul3A_332 : i32 to index
        %swap3A_336 = tpu.vector_load %arg5[%swap3A_334, %swap3A_335] {strides = array<i32>} : memref<8x4096xf32, #tpu.memory_space<vmem>>, vector<1x16xf32>,
        %swap3A_337 = vector.shape_cast %swap3A_336 : vector<1x16xf32> to vector<16xf32>
        %swap3A_338 = vector.shape_cast %get3A_146 : vector<16xf32> to vector<1x16xf32>
        tpu.vector_store %arg5[%swap3A_334, %swap3A_335], %swap3A_338 {add = true, strides = array<i32>} : memref<8x4096xf32, #tpu.memory_space<vmem>>, vector<1x16xf32>,
        %scan3A_339 = arith.constant 3 : i32
        %scan3A_340 = arith.addi %scan3A_299, %scan3A_339 : i32
        %mul3A_341 = arith.constant 1 : i32
        %mul3A_342 = arith.muli %scan3A_340, %mul3A_341 : i32
        %add3A_343 = arith.constant 0 : i32
        %add3A_344 = arith.addi %add3A_343, %mul3A_342 : i32
        %mul3A_345 = arith.constant 16 : i32
        %mul3A_346 = arith.muli %add3A_344, %mul3A_345 : i32
        %swap3A_347 = arith.constant 7 : i32
        %swap3A_348 = arith.index_cast %swap3A_347 : i32 to index
        %swap3A_349 = arith.index_cast %mul3A_346 : i32 to index
        %swap3A_350 = tpu.vector_load %arg5[%swap3A_348, %swap3A_349] {strides = array<i32>} : memref<8x4096xf32, #tpu.memory_space<vmem>>, vector<1x16xf32>,
        %swap3A_351 = vector.shape_cast %swap3A_350 : vector<1x16xf32> to vector<16xf32>
        %swap3A_352 = vector.shape_cast %get3A_146 : vector<16xf32> to vector<1x16xf32>
        tpu.vector_store %arg5[%swap3A_348, %swap3A_349], %swap3A_352 {add = true, strides = array<i32>} : memref<8x4096xf32, #tpu.memory_space<vmem>>, vector<1x16xf32>,
        %scan3A_353 = arith.constant 4 : i32
        %scan3A_354 = arith.addi %scan3A_299, %scan3A_353 : i32
        %mul3A_355 = arith.constant 1 : i32
        %mul3A_356 = arith.muli %scan3A_354, %mul3A_355 : i32
        %add3A_357 = arith.constant 0 : i32
        %add3A_358 = arith.addi %add3A_357, %mul3A_356 : i32
        %mul3A_359 = arith.constant 16 : i32
        %mul3A_360 = arith.muli %add3A_358, %mul3A_359 : i32
        %swap3A_361 = arith.constant 7 : i32
        %swap3A_362 = arith.index_cast %swap3A_361 : i32 to index
        %swap3A_363 = arith.index_cast %mul3A_360 : i32 to index
        %swap3A_364 = tpu.vector_load %arg5[%swap3A_362, %swap3A_363] {strides = array<i32>} : memref<8x4096xf32, #tpu.memory_space<vmem>>, vector<1x16xf32>,
        %swap3A_365 = vector.shape_cast %swap3A_364 : vector<1x16xf32> to vector<16xf32>
        %swap3A_366 = vector.shape_cast %get3A_146 : vector<16xf32> to vector<1x16xf32>
        tpu.vector_store %arg5[%swap3A_362, %swap3A_363], %swap3A_366 {add = true, strides = array<i32>} : memref<8x4096xf32, #tpu.memory_space<vmem>>, vector<1x16xf32>,
        %scan3A_367 = arith.constant 5 : i32
        %scan3A_368 = arith.addi %scan3A_299, %scan3A_367 : i32
        %mul3A_369 = arith.constant 1 : i32
        %mul3A_370 = arith.muli %scan3A_368, %mul3A_369 : i32
        %add3A_371 = arith.constant 0 : i32
        %add3A_372 = arith.addi %add3A_371, %mul3A_370 : i32
        %mul3A_373 = arith.constant 16 : i32
        %mul3A_374 = arith.muli %add3A_372, %mul3A_373 : i32
        %swap3A_375 = arith.constant 7 : i32
        %swap3A_376 = arith.index_cast %swap3A_375 : i32 to index
        %swap3A_377 = arith.index_cast %mul3A_374 : i32 to index
        %swap3A_378 = tpu.vector_load %arg5[%swap3A_376, %swap3A_377] {strides = array<i32>} : memref<8x4096xf32, #tpu.memory_space<vmem>>, vector<1x16xf32>,
        %swap3A_379 = vector.shape_cast %swap3A_378 : vector<1x16xf32> to vector<16xf32>
        %swap3A_380 = vector.shape_cast %get3A_146 : vector<16xf32> to vector<1x16xf32>
        tpu.vector_store %arg5[%swap3A_376, %swap3A_377], %swap3A_380 {add = true, strides = array<i32>} : memref<8x4096xf32, #tpu.memory_space<vmem>>, vector<1x16xf32>,
        %scan3A_381 = arith.constant 6 : i32
        %scan3A_382 = arith.addi %scan3A_299, %scan3A_381 : i32
        %mul3A_383 = arith.constant 1 : i32
        %mul3A_384 = arith.muli %scan3A_382, %mul3A_383 : i32
        %add3A_385 = arith.constant 0 : i32
        %add3A_386 = arith.addi %add3A_385, %mul3A_384 : i32
        %mul3A_387 = arith.constant 16 : i32
        %mul3A_388 = arith.muli %add3A_386, %mul3A_387 : i32
        %swap3A_389 = arith.constant 7 : i32
        %swap3A_390 = arith.index_cast %swap3A_389 : i32 to index
        %swap3A_391 = arith.index_cast %mul3A_388 : i32 to index
        %swap3A_392 = tpu.vector_load %arg5[%swap3A_390, %swap3A_391] {strides = array<i32>} : memref<8x4096xf32, #tpu.memory_space<vmem>>, vector<1x16xf32>,
        %swap3A_393 = vector.shape_cast %swap3A_392 : vector<1x16xf32> to vector<16xf32>
        %swap3A_394 = vector.shape_cast %get3A_146 : vector<16xf32> to vector<1x16xf32>
        tpu.vector_store %arg5[%swap3A_390, %swap3A_391], %swap3A_394 {add = true, strides = array<i32>} : memref<8x4096xf32, #tpu.memory_space<vmem>>, vector<1x16xf32>,
        %scan3A_395 = arith.constant 7 : i32
        %scan3A_396 = arith.addi %scan3A_299, %scan3A_395 : i32
        %mul3A_397 = arith.constant 1 : i32
        %mul3A_398 = arith.muli %scan3A_396, %mul3A_397 : i32
        %add3A_399 = arith.constant 0 : i32
        %add3A_400 = arith.addi %add3A_399, %mul3A_398 : i32
        %mul3A_401 = arith.constant 16 : i32
        %mul3A_402 = arith.muli %add3A_400, %mul3A_401 : i32
        %swap3A_403 = arith.constant 7 : i32
        %swap3A_404 = arith.index_cast %swap3A_403 : i32 to index
        %swap3A_405 = arith.index_cast %mul3A_402 : i32 to index
        %swap3A_406 = tpu.vector_load %arg5[%swap3A_404, %swap3A_405] {strides = array<i32>} : memref<8x4096xf32, #tpu.memory_space<vmem>>, vector<1x16xf32>,
        %swap3A_407 = vector.shape_cast %swap3A_406 : vector<1x16xf32> to vector<16xf32>
        %swap3A_408 = vector.shape_cast %get3A_146 : vector<16xf32> to vector<1x16xf32>
        tpu.vector_store %arg5[%swap3A_404, %swap3A_405], %swap3A_408 {add = true, strides = array<i32>} : memref<8x4096xf32, #tpu.memory_space<vmem>>, vector<1x16xf32>,
      }
      %scan3A_151 = arith.constant 256 : i32
      %mul3A_152 = arith.constant 8 : i32
      %mul3A_153 = arith.muli %add3A_25, %mul3A_152 : i32
      %add3A_154 = arith.addi %mul3A_2, %mul3A_153 : i32
      %dma_start3A_155 = arith.constant 0 : i32
      %dma_start3A_156 = tpu.memref_slice %arg4[%add3A_154, %dma_start3A_155] : memref<12800x4096xf32, #tpu.memory_space<hbm>> -> memref<8x4096xf32, #tpu.memory_space<hbm>>
      %dma_start3A_157 = arith.constant 0 : i32
      %dma_start3A_158 = tpu.memref_slice %arg4[%add3A_154, %dma_start3A_157] : memref<12800x4096xf32, #tpu.memory_space<hbm>> -> memref<8x4096xf32, #tpu.memory_space<hbm>>
      tpu.enqueue_dma source(%arg5 : memref<8x4096xf32, #tpu.memory_space<vmem>>) target(%dma_start3A_158 : memref<8x4096xf32, #tpu.memory_space<hbm>>) target_semaphore(%arg10 : memref<!tpu.dma_semaphore, #tpu.memory_space<semaphore_mem>>)
      %add3A_159 = arith.constant 1 : i32
      %add3A_160 = arith.addi %add3A_23, %add3A_159 : i32
      %ge3A_161 = arith.constant 1 : i32
      %ge3A_162 = arith.cmpi sge, %add3A_160, %ge3A_161 : i32
      %convert_element_type3A_163 = arith.extui %ge3A_162 : i1 to i32
      %cond3A_164 = arith.constant 0 : i32
      %cond3A_165 = arith.cmpi ne, %convert_element_type3A_163, %cond3A_164 : i32
      scf.if %cond3A_165 {
        %sub3A = arith.constant 1 : i32
        %sub3A_299 = arith.subi %add3A_160, %sub3A : i32
        %mul3A_300 = arith.constant 8 : i32
        %mul3A_301 = arith.muli %sub3A_299, %mul3A_300 : i32
        %add3A_302 = arith.addi %mul3A_2, %mul3A_301 : i32
        %dma_wait3A_303 = arith.constant 0 : i32
        %dma_wait3A_304 = tpu.memref_slice %arg4[%add3A_302, %dma_wait3A_303] : memref<12800x4096xf32, #tpu.memory_space<hbm>> -> memref<8x4096xf32, #tpu.memory_space<hbm>>
        %dma_wait3A_305 = arith.constant 0 : i32
        %dma_wait3A_306 = tpu.memref_slice %arg4[%add3A_302, %dma_wait3A_305] : memref<12800x4096xf32, #tpu.memory_space<hbm>> -> memref<8x4096xf32, #tpu.memory_space<hbm>>
        tpu.wait_dma2 semaphore(%arg10 : memref<!tpu.dma_semaphore, #tpu.memory_space<semaphore_mem>>) src(%arg5 : memref<8x4096xf32, #tpu.memory_space<vmem>>) dst(%dma_wait3A_306 : memref<8x4096xf32, #tpu.memory_space<hbm>>)
      } else {
      }
      %add3A_166 = arith.constant 1 : i32
      %add3A_167 = arith.addi %add3A_160, %add3A_166 : i32
      %lt3A_168 = arith.constant 50 : i32
      %lt3A_169 = arith.cmpi slt, %add3A_167, %lt3A_168 : i32
      %convert_element_type3A_170 = arith.extui %lt3A_169 : i1 to i32
      %cond3A_171 = arith.constant 0 : i32
      %cond3A_172 = arith.cmpi ne, %convert_element_type3A_170, %cond3A_171 : i32
      scf.if %cond3A_172 {
        %add3A_299 = arith.constant 1 : i32
        %add3A_300 = arith.addi %add3A_160, %add3A_299 : i32
        %mul3A_301 = arith.constant 8 : i32
        %mul3A_302 = arith.muli %add3A_300, %mul3A_301 : i32
        %add3A_303 = arith.addi %mul3A_2, %mul3A_302 : i32
        %dma_start3A_304 = arith.constant 0 : i32
        %dma_start3A_305 = tpu.memref_slice %arg2[%add3A_303, %dma_start3A_304] : memref<12800x4096xf32, #tpu.memory_space<hbm>> -> memref<8x4096xf32, #tpu.memory_space<hbm>>
        %dma_start3A_306 = arith.constant 0 : i32
        %dma_start3A_307 = tpu.memref_slice %arg2[%add3A_303, %dma_start3A_306] : memref<12800x4096xf32, #tpu.memory_space<hbm>> -> memref<8x4096xf32, #tpu.memory_space<hbm>>
        tpu.enqueue_dma source(%dma_start3A_307 : memref<8x4096xf32, #tpu.memory_space<hbm>>) target(%arg5 : memref<8x4096xf32, #tpu.memory_space<vmem>>) target_semaphore(%arg8 : memref<!tpu.dma_semaphore, #tpu.memory_space<semaphore_mem>>)
      } else {
      }
      %mul3A_173 = arith.constant 8 : i32
      %mul3A_174 = arith.muli %add3A_160, %mul3A_173 : i32
      %add3A_175 = arith.addi %mul3A_2, %mul3A_174 : i32
      %dma_wait3A_176 = arith.constant 0 : i32
      %dma_wait3A_177 = tpu.memref_slice %arg2[%add3A_175, %dma_wait3A_176] : memref<12800x4096xf32, #tpu.memory_space<hbm>> -> memref<8x4096xf32, #tpu.memory_space<hbm>>
      %dma_wait3A_178 = arith.constant 0 : i32
      %dma_wait3A_179 = tpu.memref_slice %arg2[%add3A_175, %dma_wait3A_178] : memref<12800x4096xf32, #tpu.memory_space<hbm>> -> memref<8x4096xf32, #tpu.memory_space<hbm>>
      tpu.wait_dma2 semaphore(%arg9 : memref<!tpu.dma_semaphore, #tpu.memory_space<semaphore_mem>>) src(%dma_wait3A_179 : memref<8x4096xf32, #tpu.memory_space<hbm>>) dst(%arg6 : memref<8x4096xf32, #tpu.memory_space<vmem>>)
      %mul3A_180 = arith.constant 8 : i32
      %mul3A_181 = arith.muli %add3A_160, %mul3A_180 : i32
      %add3A_182 = arith.constant 0 : i32
      %add3A_183 = arith.addi %mul3A_181, %add3A_182 : i32
      %mul3A_184 = arith.constant 16 : i32
      %mul3A_185 = arith.muli %add3A_183, %mul3A_184 : i32
      %get3A_186 = arith.index_cast %mul3A_185 : i32 to index
      %get3A_187 = tpu.vector_load %arg7[%get3A_186] {strides = array<i32>} : memref<6400xf32, #tpu.memory_space<vmem>>, vector<16xf32>,
      %get3A_188 = vector.shape_cast %get3A_187 : vector<16xf32> to vector<16xf32>
      %scan3A_189 = arith.constant 0 : i32
      %scan3A_190 = arith.constant 256 : i32
      %scan3A_191 = arith.addi %scan3A_189, %scan3A_190 : i32
      %scan3A_192 = arith.constant 8 : i32
      scf.for %scan3A_299 = %scan3A_189 to %scan3A_191 step %scan3A_192  : i32 {
        %mul3A_300 = arith.constant 1 : i32
        %mul3A_301 = arith.muli %scan3A_299, %mul3A_300 : i32
        %add3A_302 = arith.constant 0 : i32
        %add3A_303 = arith.addi %add3A_302, %mul3A_301 : i32
        %mul3A_304 = arith.constant 16 : i32
        %mul3A_305 = arith.muli %add3A_303, %mul3A_304 : i32
        %swap3A = arith.constant 0 : i32
        %swap3A_306 = arith.index_cast %swap3A : i32 to index
        %swap3A_307 = arith.index_cast %mul3A_305 : i32 to index
        %swap3A_308 = tpu.vector_load %arg6[%swap3A_306, %swap3A_307] {strides = array<i32>} : memref<8x4096xf32, #tpu.memory_space<vmem>>, vector<1x16xf32>,
        %swap3A_309 = vector.shape_cast %swap3A_308 : vector<1x16xf32> to vector<16xf32>
        %swap3A_310 = vector.shape_cast %get3A_188 : vector<16xf32> to vector<1x16xf32>
        tpu.vector_store %arg6[%swap3A_306, %swap3A_307], %swap3A_310 {add = true, strides = array<i32>} : memref<8x4096xf32, #tpu.memory_space<vmem>>, vector<1x16xf32>,
        %scan3A_311 = arith.constant 1 : i32
        %scan3A_312 = arith.addi %scan3A_299, %scan3A_311 : i32
        %mul3A_313 = arith.constant 1 : i32
        %mul3A_314 = arith.muli %scan3A_312, %mul3A_313 : i32
        %add3A_315 = arith.constant 0 : i32
        %add3A_316 = arith.addi %add3A_315, %mul3A_314 : i32
        %mul3A_317 = arith.constant 16 : i32
        %mul3A_318 = arith.muli %add3A_316, %mul3A_317 : i32
        %swap3A_319 = arith.constant 0 : i32
        %swap3A_320 = arith.index_cast %swap3A_319 : i32 to index
        %swap3A_321 = arith.index_cast %mul3A_318 : i32 to index
        %swap3A_322 = tpu.vector_load %arg6[%swap3A_320, %swap3A_321] {strides = array<i32>} : memref<8x4096xf32, #tpu.memory_space<vmem>>, vector<1x16xf32>,
        %swap3A_323 = vector.shape_cast %swap3A_322 : vector<1x16xf32> to vector<16xf32>
        %swap3A_324 = vector.shape_cast %get3A_188 : vector<16xf32> to vector<1x16xf32>
        tpu.vector_store %arg6[%swap3A_320, %swap3A_321], %swap3A_324 {add = true, strides = array<i32>} : memref<8x4096xf32, #tpu.memory_space<vmem>>, vector<1x16xf32>,
        %scan3A_325 = arith.constant 2 : i32
        %scan3A_326 = arith.addi %scan3A_299, %scan3A_325 : i32
        %mul3A_327 = arith.constant 1 : i32
        %mul3A_328 = arith.muli %scan3A_326, %mul3A_327 : i32
        %add3A_329 = arith.constant 0 : i32
        %add3A_330 = arith.addi %add3A_329, %mul3A_328 : i32
        %mul3A_331 = arith.constant 16 : i32
        %mul3A_332 = arith.muli %add3A_330, %mul3A_331 : i32
        %swap3A_333 = arith.constant 0 : i32
        %swap3A_334 = arith.index_cast %swap3A_333 : i32 to index
        %swap3A_335 = arith.index_cast %mul3A_332 : i32 to index
        %swap3A_336 = tpu.vector_load %arg6[%swap3A_334, %swap3A_335] {strides = array<i32>} : memref<8x4096xf32, #tpu.memory_space<vmem>>, vector<1x16xf32>,
        %swap3A_337 = vector.shape_cast %swap3A_336 : vector<1x16xf32> to vector<16xf32>
        %swap3A_338 = vector.shape_cast %get3A_188 : vector<16xf32> to vector<1x16xf32>
        tpu.vector_store %arg6[%swap3A_334, %swap3A_335], %swap3A_338 {add = true, strides = array<i32>} : memref<8x4096xf32, #tpu.memory_space<vmem>>, vector<1x16xf32>,
        %scan3A_339 = arith.constant 3 : i32
        %scan3A_340 = arith.addi %scan3A_299, %scan3A_339 : i32
        %mul3A_341 = arith.constant 1 : i32
        %mul3A_342 = arith.muli %scan3A_340, %mul3A_341 : i32
        %add3A_343 = arith.constant 0 : i32
        %add3A_344 = arith.addi %add3A_343, %mul3A_342 : i32
        %mul3A_345 = arith.constant 16 : i32
        %mul3A_346 = arith.muli %add3A_344, %mul3A_345 : i32
        %swap3A_347 = arith.constant 0 : i32
        %swap3A_348 = arith.index_cast %swap3A_347 : i32 to index
        %swap3A_349 = arith.index_cast %mul3A_346 : i32 to index
        %swap3A_350 = tpu.vector_load %arg6[%swap3A_348, %swap3A_349] {strides = array<i32>} : memref<8x4096xf32, #tpu.memory_space<vmem>>, vector<1x16xf32>,
        %swap3A_351 = vector.shape_cast %swap3A_350 : vector<1x16xf32> to vector<16xf32>
        %swap3A_352 = vector.shape_cast %get3A_188 : vector<16xf32> to vector<1x16xf32>
        tpu.vector_store %arg6[%swap3A_348, %swap3A_349], %swap3A_352 {add = true, strides = array<i32>} : memref<8x4096xf32, #tpu.memory_space<vmem>>, vector<1x16xf32>,
        %scan3A_353 = arith.constant 4 : i32
        %scan3A_354 = arith.addi %scan3A_299, %scan3A_353 : i32
        %mul3A_355 = arith.constant 1 : i32
        %mul3A_356 = arith.muli %scan3A_354, %mul3A_355 : i32
        %add3A_357 = arith.constant 0 : i32
        %add3A_358 = arith.addi %add3A_357, %mul3A_356 : i32
        %mul3A_359 = arith.constant 16 : i32
        %mul3A_360 = arith.muli %add3A_358, %mul3A_359 : i32
        %swap3A_361 = arith.constant 0 : i32
        %swap3A_362 = arith.index_cast %swap3A_361 : i32 to index
        %swap3A_363 = arith.index_cast %mul3A_360 : i32 to index
        %swap3A_364 = tpu.vector_load %arg6[%swap3A_362, %swap3A_363] {strides = array<i32>} : memref<8x4096xf32, #tpu.memory_space<vmem>>, vector<1x16xf32>,
        %swap3A_365 = vector.shape_cast %swap3A_364 : vector<1x16xf32> to vector<16xf32>
        %swap3A_366 = vector.shape_cast %get3A_188 : vector<16xf32> to vector<1x16xf32>
        tpu.vector_store %arg6[%swap3A_362, %swap3A_363], %swap3A_366 {add = true, strides = array<i32>} : memref<8x4096xf32, #tpu.memory_space<vmem>>, vector<1x16xf32>,
        %scan3A_367 = arith.constant 5 : i32
        %scan3A_368 = arith.addi %scan3A_299, %scan3A_367 : i32
        %mul3A_369 = arith.constant 1 : i32
        %mul3A_370 = arith.muli %scan3A_368, %mul3A_369 : i32
        %add3A_371 = arith.constant 0 : i32
        %add3A_372 = arith.addi %add3A_371, %mul3A_370 : i32
        %mul3A_373 = arith.constant 16 : i32
        %mul3A_374 = arith.muli %add3A_372, %mul3A_373 : i32
        %swap3A_375 = arith.constant 0 : i32
        %swap3A_376 = arith.index_cast %swap3A_375 : i32 to index
        %swap3A_377 = arith.index_cast %mul3A_374 : i32 to index
        %swap3A_378 = tpu.vector_load %arg6[%swap3A_376, %swap3A_377] {strides = array<i32>} : memref<8x4096xf32, #tpu.memory_space<vmem>>, vector<1x16xf32>,
        %swap3A_379 = vector.shape_cast %swap3A_378 : vector<1x16xf32> to vector<16xf32>
        %swap3A_380 = vector.shape_cast %get3A_188 : vector<16xf32> to vector<1x16xf32>
        tpu.vector_store %arg6[%swap3A_376, %swap3A_377], %swap3A_380 {add = true, strides = array<i32>} : memref<8x4096xf32, #tpu.memory_space<vmem>>, vector<1x16xf32>,
        %scan3A_381 = arith.constant 6 : i32
        %scan3A_382 = arith.addi %scan3A_299, %scan3A_381 : i32
        %mul3A_383 = arith.constant 1 : i32
        %mul3A_384 = arith.muli %scan3A_382, %mul3A_383 : i32
        %add3A_385 = arith.constant 0 : i32
        %add3A_386 = arith.addi %add3A_385, %mul3A_384 : i32
        %mul3A_387 = arith.constant 16 : i32
        %mul3A_388 = arith.muli %add3A_386, %mul3A_387 : i32
        %swap3A_389 = arith.constant 0 : i32
        %swap3A_390 = arith.index_cast %swap3A_389 : i32 to index
        %swap3A_391 = arith.index_cast %mul3A_388 : i32 to index
        %swap3A_392 = tpu.vector_load %arg6[%swap3A_390, %swap3A_391] {strides = array<i32>} : memref<8x4096xf32, #tpu.memory_space<vmem>>, vector<1x16xf32>,
        %swap3A_393 = vector.shape_cast %swap3A_392 : vector<1x16xf32> to vector<16xf32>
        %swap3A_394 = vector.shape_cast %get3A_188 : vector<16xf32> to vector<1x16xf32>
        tpu.vector_store %arg6[%swap3A_390, %swap3A_391], %swap3A_394 {add = true, strides = array<i32>} : memref<8x4096xf32, #tpu.memory_space<vmem>>, vector<1x16xf32>,
        %scan3A_395 = arith.constant 7 : i32
        %scan3A_396 = arith.addi %scan3A_299, %scan3A_395 : i32
        %mul3A_397 = arith.constant 1 : i32
        %mul3A_398 = arith.muli %scan3A_396, %mul3A_397 : i32
        %add3A_399 = arith.constant 0 : i32
        %add3A_400 = arith.addi %add3A_399, %mul3A_398 : i32
        %mul3A_401 = arith.constant 16 : i32
        %mul3A_402 = arith.muli %add3A_400, %mul3A_401 : i32
        %swap3A_403 = arith.constant 0 : i32
        %swap3A_404 = arith.index_cast %swap3A_403 : i32 to index
        %swap3A_405 = arith.index_cast %mul3A_402 : i32 to index
        %swap3A_406 = tpu.vector_load %arg6[%swap3A_404, %swap3A_405] {strides = array<i32>} : memref<8x4096xf32, #tpu.memory_space<vmem>>, vector<1x16xf32>,
        %swap3A_407 = vector.shape_cast %swap3A_406 : vector<1x16xf32> to vector<16xf32>
        %swap3A_408 = vector.shape_cast %get3A_188 : vector<16xf32> to vector<1x16xf32>
        tpu.vector_store %arg6[%swap3A_404, %swap3A_405], %swap3A_408 {add = true, strides = array<i32>} : memref<8x4096xf32, #tpu.memory_space<vmem>>, vector<1x16xf32>,
      }
      %scan3A_193 = arith.constant 256 : i32
      %mul3A_194 = arith.constant 8 : i32
      %mul3A_195 = arith.muli %add3A_160, %mul3A_194 : i32
      %add3A_196 = arith.constant 1 : i32
      %add3A_197 = arith.addi %mul3A_195, %add3A_196 : i32
      %mul3A_198 = arith.constant 16 : i32
      %mul3A_199 = arith.muli %add3A_197, %mul3A_198 : i32
      %get3A_200 = arith.index_cast %mul3A_199 : i32 to index
      %get3A_201 = tpu.vector_load %arg7[%get3A_200] {strides = array<i32>} : memref<6400xf32, #tpu.memory_space<vmem>>, vector<16xf32>,
      %get3A_202 = vector.shape_cast %get3A_201 : vector<16xf32> to vector<16xf32>
      %scan3A_203 = arith.constant 0 : i32
      %scan3A_204 = arith.constant 256 : i32
      %scan3A_205 = arith.addi %scan3A_203, %scan3A_204 : i32
      %scan3A_206 = arith.constant 8 : i32
      scf.for %scan3A_299 = %scan3A_203 to %scan3A_205 step %scan3A_206  : i32 {
        %mul3A_300 = arith.constant 1 : i32
        %mul3A_301 = arith.muli %scan3A_299, %mul3A_300 : i32
        %add3A_302 = arith.constant 0 : i32
        %add3A_303 = arith.addi %add3A_302, %mul3A_301 : i32
        %mul3A_304 = arith.constant 16 : i32
        %mul3A_305 = arith.muli %add3A_303, %mul3A_304 : i32
        %swap3A = arith.constant 1 : i32
        %swap3A_306 = arith.index_cast %swap3A : i32 to index
        %swap3A_307 = arith.index_cast %mul3A_305 : i32 to index
        %swap3A_308 = tpu.vector_load %arg6[%swap3A_306, %swap3A_307] {strides = array<i32>} : memref<8x4096xf32, #tpu.memory_space<vmem>>, vector<1x16xf32>,
        %swap3A_309 = vector.shape_cast %swap3A_308 : vector<1x16xf32> to vector<16xf32>
        %swap3A_310 = vector.shape_cast %get3A_202 : vector<16xf32> to vector<1x16xf32>
        tpu.vector_store %arg6[%swap3A_306, %swap3A_307], %swap3A_310 {add = true, strides = array<i32>} : memref<8x4096xf32, #tpu.memory_space<vmem>>, vector<1x16xf32>,
        %scan3A_311 = arith.constant 1 : i32
        %scan3A_312 = arith.addi %scan3A_299, %scan3A_311 : i32
        %mul3A_313 = arith.constant 1 : i32
        %mul3A_314 = arith.muli %scan3A_312, %mul3A_313 : i32
        %add3A_315 = arith.constant 0 : i32
        %add3A_316 = arith.addi %add3A_315, %mul3A_314 : i32
        %mul3A_317 = arith.constant 16 : i32
        %mul3A_318 = arith.muli %add3A_316, %mul3A_317 : i32
        %swap3A_319 = arith.constant 1 : i32
        %swap3A_320 = arith.index_cast %swap3A_319 : i32 to index
        %swap3A_321 = arith.index_cast %mul3A_318 : i32 to index
        %swap3A_322 = tpu.vector_load %arg6[%swap3A_320, %swap3A_321] {strides = array<i32>} : memref<8x4096xf32, #tpu.memory_space<vmem>>, vector<1x16xf32>,
        %swap3A_323 = vector.shape_cast %swap3A_322 : vector<1x16xf32> to vector<16xf32>
        %swap3A_324 = vector.shape_cast %get3A_202 : vector<16xf32> to vector<1x16xf32>
        tpu.vector_store %arg6[%swap3A_320, %swap3A_321], %swap3A_324 {add = true, strides = array<i32>} : memref<8x4096xf32, #tpu.memory_space<vmem>>, vector<1x16xf32>,
        %scan3A_325 = arith.constant 2 : i32
        %scan3A_326 = arith.addi %scan3A_299, %scan3A_325 : i32
        %mul3A_327 = arith.constant 1 : i32
        %mul3A_328 = arith.muli %scan3A_326, %mul3A_327 : i32
        %add3A_329 = arith.constant 0 : i32
        %add3A_330 = arith.addi %add3A_329, %mul3A_328 : i32
        %mul3A_331 = arith.constant 16 : i32
        %mul3A_332 = arith.muli %add3A_330, %mul3A_331 : i32
        %swap3A_333 = arith.constant 1 : i32
        %swap3A_334 = arith.index_cast %swap3A_333 : i32 to index
        %swap3A_335 = arith.index_cast %mul3A_332 : i32 to index
        %swap3A_336 = tpu.vector_load %arg6[%swap3A_334, %swap3A_335] {strides = array<i32>} : memref<8x4096xf32, #tpu.memory_space<vmem>>, vector<1x16xf32>,
        %swap3A_337 = vector.shape_cast %swap3A_336 : vector<1x16xf32> to vector<16xf32>
        %swap3A_338 = vector.shape_cast %get3A_202 : vector<16xf32> to vector<1x16xf32>
        tpu.vector_store %arg6[%swap3A_334, %swap3A_335], %swap3A_338 {add = true, strides = array<i32>} : memref<8x4096xf32, #tpu.memory_space<vmem>>, vector<1x16xf32>,
        %scan3A_339 = arith.constant 3 : i32
        %scan3A_340 = arith.addi %scan3A_299, %scan3A_339 : i32
        %mul3A_341 = arith.constant 1 : i32
        %mul3A_342 = arith.muli %scan3A_340, %mul3A_341 : i32
        %add3A_343 = arith.constant 0 : i32
        %add3A_344 = arith.addi %add3A_343, %mul3A_342 : i32
        %mul3A_345 = arith.constant 16 : i32
        %mul3A_346 = arith.muli %add3A_344, %mul3A_345 : i32
        %swap3A_347 = arith.constant 1 : i32
        %swap3A_348 = arith.index_cast %swap3A_347 : i32 to index
        %swap3A_349 = arith.index_cast %mul3A_346 : i32 to index
        %swap3A_350 = tpu.vector_load %arg6[%swap3A_348, %swap3A_349] {strides = array<i32>} : memref<8x4096xf32, #tpu.memory_space<vmem>>, vector<1x16xf32>,
        %swap3A_351 = vector.shape_cast %swap3A_350 : vector<1x16xf32> to vector<16xf32>
        %swap3A_352 = vector.shape_cast %get3A_202 : vector<16xf32> to vector<1x16xf32>
        tpu.vector_store %arg6[%swap3A_348, %swap3A_349], %swap3A_352 {add = true, strides = array<i32>} : memref<8x4096xf32, #tpu.memory_space<vmem>>, vector<1x16xf32>,
        %scan3A_353 = arith.constant 4 : i32
        %scan3A_354 = arith.addi %scan3A_299, %scan3A_353 : i32
        %mul3A_355 = arith.constant 1 : i32
        %mul3A_356 = arith.muli %scan3A_354, %mul3A_355 : i32
        %add3A_357 = arith.constant 0 : i32
        %add3A_358 = arith.addi %add3A_357, %mul3A_356 : i32
        %mul3A_359 = arith.constant 16 : i32
        %mul3A_360 = arith.muli %add3A_358, %mul3A_359 : i32
        %swap3A_361 = arith.constant 1 : i32
        %swap3A_362 = arith.index_cast %swap3A_361 : i32 to index
        %swap3A_363 = arith.index_cast %mul3A_360 : i32 to index
        %swap3A_364 = tpu.vector_load %arg6[%swap3A_362, %swap3A_363] {strides = array<i32>} : memref<8x4096xf32, #tpu.memory_space<vmem>>, vector<1x16xf32>,
        %swap3A_365 = vector.shape_cast %swap3A_364 : vector<1x16xf32> to vector<16xf32>
        %swap3A_366 = vector.shape_cast %get3A_202 : vector<16xf32> to vector<1x16xf32>
        tpu.vector_store %arg6[%swap3A_362, %swap3A_363], %swap3A_366 {add = true, strides = array<i32>} : memref<8x4096xf32, #tpu.memory_space<vmem>>, vector<1x16xf32>,
        %scan3A_367 = arith.constant 5 : i32
        %scan3A_368 = arith.addi %scan3A_299, %scan3A_367 : i32
        %mul3A_369 = arith.constant 1 : i32
        %mul3A_370 = arith.muli %scan3A_368, %mul3A_369 : i32
        %add3A_371 = arith.constant 0 : i32
        %add3A_372 = arith.addi %add3A_371, %mul3A_370 : i32
        %mul3A_373 = arith.constant 16 : i32
        %mul3A_374 = arith.muli %add3A_372, %mul3A_373 : i32
        %swap3A_375 = arith.constant 1 : i32
        %swap3A_376 = arith.index_cast %swap3A_375 : i32 to index
        %swap3A_377 = arith.index_cast %mul3A_374 : i32 to index
        %swap3A_378 = tpu.vector_load %arg6[%swap3A_376, %swap3A_377] {strides = array<i32>} : memref<8x4096xf32, #tpu.memory_space<vmem>>, vector<1x16xf32>,
        %swap3A_379 = vector.shape_cast %swap3A_378 : vector<1x16xf32> to vector<16xf32>
        %swap3A_380 = vector.shape_cast %get3A_202 : vector<16xf32> to vector<1x16xf32>
        tpu.vector_store %arg6[%swap3A_376, %swap3A_377], %swap3A_380 {add = true, strides = array<i32>} : memref<8x4096xf32, #tpu.memory_space<vmem>>, vector<1x16xf32>,
        %scan3A_381 = arith.constant 6 : i32
        %scan3A_382 = arith.addi %scan3A_299, %scan3A_381 : i32
        %mul3A_383 = arith.constant 1 : i32
        %mul3A_384 = arith.muli %scan3A_382, %mul3A_383 : i32
        %add3A_385 = arith.constant 0 : i32
        %add3A_386 = arith.addi %add3A_385, %mul3A_384 : i32
        %mul3A_387 = arith.constant 16 : i32
        %mul3A_388 = arith.muli %add3A_386, %mul3A_387 : i32
        %swap3A_389 = arith.constant 1 : i32
        %swap3A_390 = arith.index_cast %swap3A_389 : i32 to index
        %swap3A_391 = arith.index_cast %mul3A_388 : i32 to index
        %swap3A_392 = tpu.vector_load %arg6[%swap3A_390, %swap3A_391] {strides = array<i32>} : memref<8x4096xf32, #tpu.memory_space<vmem>>, vector<1x16xf32>,
        %swap3A_393 = vector.shape_cast %swap3A_392 : vector<1x16xf32> to vector<16xf32>
        %swap3A_394 = vector.shape_cast %get3A_202 : vector<16xf32> to vector<1x16xf32>
        tpu.vector_store %arg6[%swap3A_390, %swap3A_391], %swap3A_394 {add = true, strides = array<i32>} : memref<8x4096xf32, #tpu.memory_space<vmem>>, vector<1x16xf32>,
        %scan3A_395 = arith.constant 7 : i32
        %scan3A_396 = arith.addi %scan3A_299, %scan3A_395 : i32
        %mul3A_397 = arith.constant 1 : i32
        %mul3A_398 = arith.muli %scan3A_396, %mul3A_397 : i32
        %add3A_399 = arith.constant 0 : i32
        %add3A_400 = arith.addi %add3A_399, %mul3A_398 : i32
        %mul3A_401 = arith.constant 16 : i32
        %mul3A_402 = arith.muli %add3A_400, %mul3A_401 : i32
        %swap3A_403 = arith.constant 1 : i32
        %swap3A_404 = arith.index_cast %swap3A_403 : i32 to index
        %swap3A_405 = arith.index_cast %mul3A_402 : i32 to index
        %swap3A_406 = tpu.vector_load %arg6[%swap3A_404, %swap3A_405] {strides = array<i32>} : memref<8x4096xf32, #tpu.memory_space<vmem>>, vector<1x16xf32>,
        %swap3A_407 = vector.shape_cast %swap3A_406 : vector<1x16xf32> to vector<16xf32>
        %swap3A_408 = vector.shape_cast %get3A_202 : vector<16xf32> to vector<1x16xf32>
        tpu.vector_store %arg6[%swap3A_404, %swap3A_405], %swap3A_408 {add = true, strides = array<i32>} : memref<8x4096xf32, #tpu.memory_space<vmem>>, vector<1x16xf32>,
      }
      %scan3A_207 = arith.constant 256 : i32
      %mul3A_208 = arith.constant 8 : i32
      %mul3A_209 = arith.muli %add3A_160, %mul3A_208 : i32
      %add3A_210 = arith.constant 2 : i32
      %add3A_211 = arith.addi %mul3A_209, %add3A_210 : i32
      %mul3A_212 = arith.constant 16 : i32
      %mul3A_213 = arith.muli %add3A_211, %mul3A_212 : i32
      %get3A_214 = arith.index_cast %mul3A_213 : i32 to index
      %get3A_215 = tpu.vector_load %arg7[%get3A_214] {strides = array<i32>} : memref<6400xf32, #tpu.memory_space<vmem>>, vector<16xf32>,
      %get3A_216 = vector.shape_cast %get3A_215 : vector<16xf32> to vector<16xf32>
      %scan3A_217 = arith.constant 0 : i32
      %scan3A_218 = arith.constant 256 : i32
      %scan3A_219 = arith.addi %scan3A_217, %scan3A_218 : i32
      %scan3A_220 = arith.constant 8 : i32
      scf.for %scan3A_299 = %scan3A_217 to %scan3A_219 step %scan3A_220  : i32 {
        %mul3A_300 = arith.constant 1 : i32
        %mul3A_301 = arith.muli %scan3A_299, %mul3A_300 : i32
        %add3A_302 = arith.constant 0 : i32
        %add3A_303 = arith.addi %add3A_302, %mul3A_301 : i32
        %mul3A_304 = arith.constant 16 : i32
        %mul3A_305 = arith.muli %add3A_303, %mul3A_304 : i32
        %swap3A = arith.constant 2 : i32
        %swap3A_306 = arith.index_cast %swap3A : i32 to index
        %swap3A_307 = arith.index_cast %mul3A_305 : i32 to index
        %swap3A_308 = tpu.vector_load %arg6[%swap3A_306, %swap3A_307] {strides = array<i32>} : memref<8x4096xf32, #tpu.memory_space<vmem>>, vector<1x16xf32>,
        %swap3A_309 = vector.shape_cast %swap3A_308 : vector<1x16xf32> to vector<16xf32>
        %swap3A_310 = vector.shape_cast %get3A_216 : vector<16xf32> to vector<1x16xf32>
        tpu.vector_store %arg6[%swap3A_306, %swap3A_307], %swap3A_310 {add = true, strides = array<i32>} : memref<8x4096xf32, #tpu.memory_space<vmem>>, vector<1x16xf32>,
        %scan3A_311 = arith.constant 1 : i32
        %scan3A_312 = arith.addi %scan3A_299, %scan3A_311 : i32
        %mul3A_313 = arith.constant 1 : i32
        %mul3A_314 = arith.muli %scan3A_312, %mul3A_313 : i32
        %add3A_315 = arith.constant 0 : i32
        %add3A_316 = arith.addi %add3A_315, %mul3A_314 : i32
        %mul3A_317 = arith.constant 16 : i32
        %mul3A_318 = arith.muli %add3A_316, %mul3A_317 : i32
        %swap3A_319 = arith.constant 2 : i32
        %swap3A_320 = arith.index_cast %swap3A_319 : i32 to index
        %swap3A_321 = arith.index_cast %mul3A_318 : i32 to index
        %swap3A_322 = tpu.vector_load %arg6[%swap3A_320, %swap3A_321] {strides = array<i32>} : memref<8x4096xf32, #tpu.memory_space<vmem>>, vector<1x16xf32>,
        %swap3A_323 = vector.shape_cast %swap3A_322 : vector<1x16xf32> to vector<16xf32>
        %swap3A_324 = vector.shape_cast %get3A_216 : vector<16xf32> to vector<1x16xf32>
        tpu.vector_store %arg6[%swap3A_320, %swap3A_321], %swap3A_324 {add = true, strides = array<i32>} : memref<8x4096xf32, #tpu.memory_space<vmem>>, vector<1x16xf32>,
        %scan3A_325 = arith.constant 2 : i32
        %scan3A_326 = arith.addi %scan3A_299, %scan3A_325 : i32
        %mul3A_327 = arith.constant 1 : i32
        %mul3A_328 = arith.muli %scan3A_326, %mul3A_327 : i32
        %add3A_329 = arith.constant 0 : i32
        %add3A_330 = arith.addi %add3A_329, %mul3A_328 : i32
        %mul3A_331 = arith.constant 16 : i32
        %mul3A_332 = arith.muli %add3A_330, %mul3A_331 : i32
        %swap3A_333 = arith.constant 2 : i32
        %swap3A_334 = arith.index_cast %swap3A_333 : i32 to index
        %swap3A_335 = arith.index_cast %mul3A_332 : i32 to index
        %swap3A_336 = tpu.vector_load %arg6[%swap3A_334, %swap3A_335] {strides = array<i32>} : memref<8x4096xf32, #tpu.memory_space<vmem>>, vector<1x16xf32>,
        %swap3A_337 = vector.shape_cast %swap3A_336 : vector<1x16xf32> to vector<16xf32>
        %swap3A_338 = vector.shape_cast %get3A_216 : vector<16xf32> to vector<1x16xf32>
        tpu.vector_store %arg6[%swap3A_334, %swap3A_335], %swap3A_338 {add = true, strides = array<i32>} : memref<8x4096xf32, #tpu.memory_space<vmem>>, vector<1x16xf32>,
        %scan3A_339 = arith.constant 3 : i32
        %scan3A_340 = arith.addi %scan3A_299, %scan3A_339 : i32
        %mul3A_341 = arith.constant 1 : i32
        %mul3A_342 = arith.muli %scan3A_340, %mul3A_341 : i32
        %add3A_343 = arith.constant 0 : i32
        %add3A_344 = arith.addi %add3A_343, %mul3A_342 : i32
        %mul3A_345 = arith.constant 16 : i32
        %mul3A_346 = arith.muli %add3A_344, %mul3A_345 : i32
        %swap3A_347 = arith.constant 2 : i32
        %swap3A_348 = arith.index_cast %swap3A_347 : i32 to index
        %swap3A_349 = arith.index_cast %mul3A_346 : i32 to index
        %swap3A_350 = tpu.vector_load %arg6[%swap3A_348, %swap3A_349] {strides = array<i32>} : memref<8x4096xf32, #tpu.memory_space<vmem>>, vector<1x16xf32>,
        %swap3A_351 = vector.shape_cast %swap3A_350 : vector<1x16xf32> to vector<16xf32>
        %swap3A_352 = vector.shape_cast %get3A_216 : vector<16xf32> to vector<1x16xf32>
        tpu.vector_store %arg6[%swap3A_348, %swap3A_349], %swap3A_352 {add = true, strides = array<i32>} : memref<8x4096xf32, #tpu.memory_space<vmem>>, vector<1x16xf32>,
        %scan3A_353 = arith.constant 4 : i32
        %scan3A_354 = arith.addi %scan3A_299, %scan3A_353 : i32
        %mul3A_355 = arith.constant 1 : i32
        %mul3A_356 = arith.muli %scan3A_354, %mul3A_355 : i32
        %add3A_357 = arith.constant 0 : i32
        %add3A_358 = arith.addi %add3A_357, %mul3A_356 : i32
        %mul3A_359 = arith.constant 16 : i32
        %mul3A_360 = arith.muli %add3A_358, %mul3A_359 : i32
        %swap3A_361 = arith.constant 2 : i32
        %swap3A_362 = arith.index_cast %swap3A_361 : i32 to index
        %swap3A_363 = arith.index_cast %mul3A_360 : i32 to index
        %swap3A_364 = tpu.vector_load %arg6[%swap3A_362, %swap3A_363] {strides = array<i32>} : memref<8x4096xf32, #tpu.memory_space<vmem>>, vector<1x16xf32>,
        %swap3A_365 = vector.shape_cast %swap3A_364 : vector<1x16xf32> to vector<16xf32>
        %swap3A_366 = vector.shape_cast %get3A_216 : vector<16xf32> to vector<1x16xf32>
        tpu.vector_store %arg6[%swap3A_362, %swap3A_363], %swap3A_366 {add = true, strides = array<i32>} : memref<8x4096xf32, #tpu.memory_space<vmem>>, vector<1x16xf32>,
        %scan3A_367 = arith.constant 5 : i32
        %scan3A_368 = arith.addi %scan3A_299, %scan3A_367 : i32
        %mul3A_369 = arith.constant 1 : i32
        %mul3A_370 = arith.muli %scan3A_368, %mul3A_369 : i32
        %add3A_371 = arith.constant 0 : i32
        %add3A_372 = arith.addi %add3A_371, %mul3A_370 : i32
        %mul3A_373 = arith.constant 16 : i32
        %mul3A_374 = arith.muli %add3A_372, %mul3A_373 : i32
        %swap3A_375 = arith.constant 2 : i32
        %swap3A_376 = arith.index_cast %swap3A_375 : i32 to index
        %swap3A_377 = arith.index_cast %mul3A_374 : i32 to index
        %swap3A_378 = tpu.vector_load %arg6[%swap3A_376, %swap3A_377] {strides = array<i32>} : memref<8x4096xf32, #tpu.memory_space<vmem>>, vector<1x16xf32>,
        %swap3A_379 = vector.shape_cast %swap3A_378 : vector<1x16xf32> to vector<16xf32>
        %swap3A_380 = vector.shape_cast %get3A_216 : vector<16xf32> to vector<1x16xf32>
        tpu.vector_store %arg6[%swap3A_376, %swap3A_377], %swap3A_380 {add = true, strides = array<i32>} : memref<8x4096xf32, #tpu.memory_space<vmem>>, vector<1x16xf32>,
        %scan3A_381 = arith.constant 6 : i32
        %scan3A_382 = arith.addi %scan3A_299, %scan3A_381 : i32
        %mul3A_383 = arith.constant 1 : i32
        %mul3A_384 = arith.muli %scan3A_382, %mul3A_383 : i32
        %add3A_385 = arith.constant 0 : i32
        %add3A_386 = arith.addi %add3A_385, %mul3A_384 : i32
        %mul3A_387 = arith.constant 16 : i32
        %mul3A_388 = arith.muli %add3A_386, %mul3A_387 : i32
        %swap3A_389 = arith.constant 2 : i32
        %swap3A_390 = arith.index_cast %swap3A_389 : i32 to index
        %swap3A_391 = arith.index_cast %mul3A_388 : i32 to index
        %swap3A_392 = tpu.vector_load %arg6[%swap3A_390, %swap3A_391] {strides = array<i32>} : memref<8x4096xf32, #tpu.memory_space<vmem>>, vector<1x16xf32>,
        %swap3A_393 = vector.shape_cast %swap3A_392 : vector<1x16xf32> to vector<16xf32>
        %swap3A_394 = vector.shape_cast %get3A_216 : vector<16xf32> to vector<1x16xf32>
        tpu.vector_store %arg6[%swap3A_390, %swap3A_391], %swap3A_394 {add = true, strides = array<i32>} : memref<8x4096xf32, #tpu.memory_space<vmem>>, vector<1x16xf32>,
        %scan3A_395 = arith.constant 7 : i32
        %scan3A_396 = arith.addi %scan3A_299, %scan3A_395 : i32
        %mul3A_397 = arith.constant 1 : i32
        %mul3A_398 = arith.muli %scan3A_396, %mul3A_397 : i32
        %add3A_399 = arith.constant 0 : i32
        %add3A_400 = arith.addi %add3A_399, %mul3A_398 : i32
        %mul3A_401 = arith.constant 16 : i32
        %mul3A_402 = arith.muli %add3A_400, %mul3A_401 : i32
        %swap3A_403 = arith.constant 2 : i32
        %swap3A_404 = arith.index_cast %swap3A_403 : i32 to index
        %swap3A_405 = arith.index_cast %mul3A_402 : i32 to index
        %swap3A_406 = tpu.vector_load %arg6[%swap3A_404, %swap3A_405] {strides = array<i32>} : memref<8x4096xf32, #tpu.memory_space<vmem>>, vector<1x16xf32>,
        %swap3A_407 = vector.shape_cast %swap3A_406 : vector<1x16xf32> to vector<16xf32>
        %swap3A_408 = vector.shape_cast %get3A_216 : vector<16xf32> to vector<1x16xf32>
        tpu.vector_store %arg6[%swap3A_404, %swap3A_405], %swap3A_408 {add = true, strides = array<i32>} : memref<8x4096xf32, #tpu.memory_space<vmem>>, vector<1x16xf32>,
      }
      %scan3A_221 = arith.constant 256 : i32
      %mul3A_222 = arith.constant 8 : i32
      %mul3A_223 = arith.muli %add3A_160, %mul3A_222 : i32
      %add3A_224 = arith.constant 3 : i32
      %add3A_225 = arith.addi %mul3A_223, %add3A_224 : i32
      %mul3A_226 = arith.constant 16 : i32
      %mul3A_227 = arith.muli %add3A_225, %mul3A_226 : i32
      %get3A_228 = arith.index_cast %mul3A_227 : i32 to index
      %get3A_229 = tpu.vector_load %arg7[%get3A_228] {strides = array<i32>} : memref<6400xf32, #tpu.memory_space<vmem>>, vector<16xf32>,
      %get3A_230 = vector.shape_cast %get3A_229 : vector<16xf32> to vector<16xf32>
      %scan3A_231 = arith.constant 0 : i32
      %scan3A_232 = arith.constant 256 : i32
      %scan3A_233 = arith.addi %scan3A_231, %scan3A_232 : i32
      %scan3A_234 = arith.constant 8 : i32
      scf.for %scan3A_299 = %scan3A_231 to %scan3A_233 step %scan3A_234  : i32 {
        %mul3A_300 = arith.constant 1 : i32
        %mul3A_301 = arith.muli %scan3A_299, %mul3A_300 : i32
        %add3A_302 = arith.constant 0 : i32
        %add3A_303 = arith.addi %add3A_302, %mul3A_301 : i32
        %mul3A_304 = arith.constant 16 : i32
        %mul3A_305 = arith.muli %add3A_303, %mul3A_304 : i32
        %swap3A = arith.constant 3 : i32
        %swap3A_306 = arith.index_cast %swap3A : i32 to index
        %swap3A_307 = arith.index_cast %mul3A_305 : i32 to index
        %swap3A_308 = tpu.vector_load %arg6[%swap3A_306, %swap3A_307] {strides = array<i32>} : memref<8x4096xf32, #tpu.memory_space<vmem>>, vector<1x16xf32>,
        %swap3A_309 = vector.shape_cast %swap3A_308 : vector<1x16xf32> to vector<16xf32>
        %swap3A_310 = vector.shape_cast %get3A_230 : vector<16xf32> to vector<1x16xf32>
        tpu.vector_store %arg6[%swap3A_306, %swap3A_307], %swap3A_310 {add = true, strides = array<i32>} : memref<8x4096xf32, #tpu.memory_space<vmem>>, vector<1x16xf32>,
        %scan3A_311 = arith.constant 1 : i32
        %scan3A_312 = arith.addi %scan3A_299, %scan3A_311 : i32
        %mul3A_313 = arith.constant 1 : i32
        %mul3A_314 = arith.muli %scan3A_312, %mul3A_313 : i32
        %add3A_315 = arith.constant 0 : i32
        %add3A_316 = arith.addi %add3A_315, %mul3A_314 : i32
        %mul3A_317 = arith.constant 16 : i32
        %mul3A_318 = arith.muli %add3A_316, %mul3A_317 : i32
        %swap3A_319 = arith.constant 3 : i32
        %swap3A_320 = arith.index_cast %swap3A_319 : i32 to index
        %swap3A_321 = arith.index_cast %mul3A_318 : i32 to index
        %swap3A_322 = tpu.vector_load %arg6[%swap3A_320, %swap3A_321] {strides = array<i32>} : memref<8x4096xf32, #tpu.memory_space<vmem>>, vector<1x16xf32>,
        %swap3A_323 = vector.shape_cast %swap3A_322 : vector<1x16xf32> to vector<16xf32>
        %swap3A_324 = vector.shape_cast %get3A_230 : vector<16xf32> to vector<1x16xf32>
        tpu.vector_store %arg6[%swap3A_320, %swap3A_321], %swap3A_324 {add = true, strides = array<i32>} : memref<8x4096xf32, #tpu.memory_space<vmem>>, vector<1x16xf32>,
        %scan3A_325 = arith.constant 2 : i32
        %scan3A_326 = arith.addi %scan3A_299, %scan3A_325 : i32
        %mul3A_327 = arith.constant 1 : i32
        %mul3A_328 = arith.muli %scan3A_326, %mul3A_327 : i32
        %add3A_329 = arith.constant 0 : i32
        %add3A_330 = arith.addi %add3A_329, %mul3A_328 : i32
        %mul3A_331 = arith.constant 16 : i32
        %mul3A_332 = arith.muli %add3A_330, %mul3A_331 : i32
        %swap3A_333 = arith.constant 3 : i32
        %swap3A_334 = arith.index_cast %swap3A_333 : i32 to index
        %swap3A_335 = arith.index_cast %mul3A_332 : i32 to index
        %swap3A_336 = tpu.vector_load %arg6[%swap3A_334, %swap3A_335] {strides = array<i32>} : memref<8x4096xf32, #tpu.memory_space<vmem>>, vector<1x16xf32>,
        %swap3A_337 = vector.shape_cast %swap3A_336 : vector<1x16xf32> to vector<16xf32>
        %swap3A_338 = vector.shape_cast %get3A_230 : vector<16xf32> to vector<1x16xf32>
        tpu.vector_store %arg6[%swap3A_334, %swap3A_335], %swap3A_338 {add = true, strides = array<i32>} : memref<8x4096xf32, #tpu.memory_space<vmem>>, vector<1x16xf32>,
        %scan3A_339 = arith.constant 3 : i32
        %scan3A_340 = arith.addi %scan3A_299, %scan3A_339 : i32
        %mul3A_341 = arith.constant 1 : i32
        %mul3A_342 = arith.muli %scan3A_340, %mul3A_341 : i32
        %add3A_343 = arith.constant 0 : i32
        %add3A_344 = arith.addi %add3A_343, %mul3A_342 : i32
        %mul3A_345 = arith.constant 16 : i32
        %mul3A_346 = arith.muli %add3A_344, %mul3A_345 : i32
        %swap3A_347 = arith.constant 3 : i32
        %swap3A_348 = arith.index_cast %swap3A_347 : i32 to index
        %swap3A_349 = arith.index_cast %mul3A_346 : i32 to index
        %swap3A_350 = tpu.vector_load %arg6[%swap3A_348, %swap3A_349] {strides = array<i32>} : memref<8x4096xf32, #tpu.memory_space<vmem>>, vector<1x16xf32>,
        %swap3A_351 = vector.shape_cast %swap3A_350 : vector<1x16xf32> to vector<16xf32>
        %swap3A_352 = vector.shape_cast %get3A_230 : vector<16xf32> to vector<1x16xf32>
        tpu.vector_store %arg6[%swap3A_348, %swap3A_349], %swap3A_352 {add = true, strides = array<i32>} : memref<8x4096xf32, #tpu.memory_space<vmem>>, vector<1x16xf32>,
        %scan3A_353 = arith.constant 4 : i32
        %scan3A_354 = arith.addi %scan3A_299, %scan3A_353 : i32
        %mul3A_355 = arith.constant 1 : i32
        %mul3A_356 = arith.muli %scan3A_354, %mul3A_355 : i32
        %add3A_357 = arith.constant 0 : i32
        %add3A_358 = arith.addi %add3A_357, %mul3A_356 : i32
        %mul3A_359 = arith.constant 16 : i32
        %mul3A_360 = arith.muli %add3A_358, %mul3A_359 : i32
        %swap3A_361 = arith.constant 3 : i32
        %swap3A_362 = arith.index_cast %swap3A_361 : i32 to index
        %swap3A_363 = arith.index_cast %mul3A_360 : i32 to index
        %swap3A_364 = tpu.vector_load %arg6[%swap3A_362, %swap3A_363] {strides = array<i32>} : memref<8x4096xf32, #tpu.memory_space<vmem>>, vector<1x16xf32>,
        %swap3A_365 = vector.shape_cast %swap3A_364 : vector<1x16xf32> to vector<16xf32>
        %swap3A_366 = vector.shape_cast %get3A_230 : vector<16xf32> to vector<1x16xf32>
        tpu.vector_store %arg6[%swap3A_362, %swap3A_363], %swap3A_366 {add = true, strides = array<i32>} : memref<8x4096xf32, #tpu.memory_space<vmem>>, vector<1x16xf32>,
        %scan3A_367 = arith.constant 5 : i32
        %scan3A_368 = arith.addi %scan3A_299, %scan3A_367 : i32
        %mul3A_369 = arith.constant 1 : i32
        %mul3A_370 = arith.muli %scan3A_368, %mul3A_369 : i32
        %add3A_371 = arith.constant 0 : i32
        %add3A_372 = arith.addi %add3A_371, %mul3A_370 : i32
        %mul3A_373 = arith.constant 16 : i32
        %mul3A_374 = arith.muli %add3A_372, %mul3A_373 : i32
        %swap3A_375 = arith.constant 3 : i32
        %swap3A_376 = arith.index_cast %swap3A_375 : i32 to index
        %swap3A_377 = arith.index_cast %mul3A_374 : i32 to index
        %swap3A_378 = tpu.vector_load %arg6[%swap3A_376, %swap3A_377] {strides = array<i32>} : memref<8x4096xf32, #tpu.memory_space<vmem>>, vector<1x16xf32>,
        %swap3A_379 = vector.shape_cast %swap3A_378 : vector<1x16xf32> to vector<16xf32>
        %swap3A_380 = vector.shape_cast %get3A_230 : vector<16xf32> to vector<1x16xf32>
        tpu.vector_store %arg6[%swap3A_376, %swap3A_377], %swap3A_380 {add = true, strides = array<i32>} : memref<8x4096xf32, #tpu.memory_space<vmem>>, vector<1x16xf32>,
        %scan3A_381 = arith.constant 6 : i32
        %scan3A_382 = arith.addi %scan3A_299, %scan3A_381 : i32
        %mul3A_383 = arith.constant 1 : i32
        %mul3A_384 = arith.muli %scan3A_382, %mul3A_383 : i32
        %add3A_385 = arith.constant 0 : i32
        %add3A_386 = arith.addi %add3A_385, %mul3A_384 : i32
        %mul3A_387 = arith.constant 16 : i32
        %mul3A_388 = arith.muli %add3A_386, %mul3A_387 : i32
        %swap3A_389 = arith.constant 3 : i32
        %swap3A_390 = arith.index_cast %swap3A_389 : i32 to index
        %swap3A_391 = arith.index_cast %mul3A_388 : i32 to index
        %swap3A_392 = tpu.vector_load %arg6[%swap3A_390, %swap3A_391] {strides = array<i32>} : memref<8x4096xf32, #tpu.memory_space<vmem>>, vector<1x16xf32>,
        %swap3A_393 = vector.shape_cast %swap3A_392 : vector<1x16xf32> to vector<16xf32>
        %swap3A_394 = vector.shape_cast %get3A_230 : vector<16xf32> to vector<1x16xf32>
        tpu.vector_store %arg6[%swap3A_390, %swap3A_391], %swap3A_394 {add = true, strides = array<i32>} : memref<8x4096xf32, #tpu.memory_space<vmem>>, vector<1x16xf32>,
        %scan3A_395 = arith.constant 7 : i32
        %scan3A_396 = arith.addi %scan3A_299, %scan3A_395 : i32
        %mul3A_397 = arith.constant 1 : i32
        %mul3A_398 = arith.muli %scan3A_396, %mul3A_397 : i32
        %add3A_399 = arith.constant 0 : i32
        %add3A_400 = arith.addi %add3A_399, %mul3A_398 : i32
        %mul3A_401 = arith.constant 16 : i32
        %mul3A_402 = arith.muli %add3A_400, %mul3A_401 : i32
        %swap3A_403 = arith.constant 3 : i32
        %swap3A_404 = arith.index_cast %swap3A_403 : i32 to index
        %swap3A_405 = arith.index_cast %mul3A_402 : i32 to index
        %swap3A_406 = tpu.vector_load %arg6[%swap3A_404, %swap3A_405] {strides = array<i32>} : memref<8x4096xf32, #tpu.memory_space<vmem>>, vector<1x16xf32>,
        %swap3A_407 = vector.shape_cast %swap3A_406 : vector<1x16xf32> to vector<16xf32>
        %swap3A_408 = vector.shape_cast %get3A_230 : vector<16xf32> to vector<1x16xf32>
        tpu.vector_store %arg6[%swap3A_404, %swap3A_405], %swap3A_408 {add = true, strides = array<i32>} : memref<8x4096xf32, #tpu.memory_space<vmem>>, vector<1x16xf32>,
      }
      %scan3A_235 = arith.constant 256 : i32
      %mul3A_236 = arith.constant 8 : i32
      %mul3A_237 = arith.muli %add3A_160, %mul3A_236 : i32
      %add3A_238 = arith.constant 4 : i32
      %add3A_239 = arith.addi %mul3A_237, %add3A_238 : i32
      %mul3A_240 = arith.constant 16 : i32
      %mul3A_241 = arith.muli %add3A_239, %mul3A_240 : i32
      %get3A_242 = arith.index_cast %mul3A_241 : i32 to index
      %get3A_243 = tpu.vector_load %arg7[%get3A_242] {strides = array<i32>} : memref<6400xf32, #tpu.memory_space<vmem>>, vector<16xf32>,
      %get3A_244 = vector.shape_cast %get3A_243 : vector<16xf32> to vector<16xf32>
      %scan3A_245 = arith.constant 0 : i32
      %scan3A_246 = arith.constant 256 : i32
      %scan3A_247 = arith.addi %scan3A_245, %scan3A_246 : i32
      %scan3A_248 = arith.constant 8 : i32
      scf.for %scan3A_299 = %scan3A_245 to %scan3A_247 step %scan3A_248  : i32 {
        %mul3A_300 = arith.constant 1 : i32
        %mul3A_301 = arith.muli %scan3A_299, %mul3A_300 : i32
        %add3A_302 = arith.constant 0 : i32
        %add3A_303 = arith.addi %add3A_302, %mul3A_301 : i32
        %mul3A_304 = arith.constant 16 : i32
        %mul3A_305 = arith.muli %add3A_303, %mul3A_304 : i32
        %swap3A = arith.constant 4 : i32
        %swap3A_306 = arith.index_cast %swap3A : i32 to index
        %swap3A_307 = arith.index_cast %mul3A_305 : i32 to index
        %swap3A_308 = tpu.vector_load %arg6[%swap3A_306, %swap3A_307] {strides = array<i32>} : memref<8x4096xf32, #tpu.memory_space<vmem>>, vector<1x16xf32>,
        %swap3A_309 = vector.shape_cast %swap3A_308 : vector<1x16xf32> to vector<16xf32>
        %swap3A_310 = vector.shape_cast %get3A_244 : vector<16xf32> to vector<1x16xf32>
        tpu.vector_store %arg6[%swap3A_306, %swap3A_307], %swap3A_310 {add = true, strides = array<i32>} : memref<8x4096xf32, #tpu.memory_space<vmem>>, vector<1x16xf32>,
        %scan3A_311 = arith.constant 1 : i32
        %scan3A_312 = arith.addi %scan3A_299, %scan3A_311 : i32
        %mul3A_313 = arith.constant 1 : i32
        %mul3A_314 = arith.muli %scan3A_312, %mul3A_313 : i32
        %add3A_315 = arith.constant 0 : i32
        %add3A_316 = arith.addi %add3A_315, %mul3A_314 : i32
        %mul3A_317 = arith.constant 16 : i32
        %mul3A_318 = arith.muli %add3A_316, %mul3A_317 : i32
        %swap3A_319 = arith.constant 4 : i32
        %swap3A_320 = arith.index_cast %swap3A_319 : i32 to index
        %swap3A_321 = arith.index_cast %mul3A_318 : i32 to index
        %swap3A_322 = tpu.vector_load %arg6[%swap3A_320, %swap3A_321] {strides = array<i32>} : memref<8x4096xf32, #tpu.memory_space<vmem>>, vector<1x16xf32>,
        %swap3A_323 = vector.shape_cast %swap3A_322 : vector<1x16xf32> to vector<16xf32>
        %swap3A_324 = vector.shape_cast %get3A_244 : vector<16xf32> to vector<1x16xf32>
        tpu.vector_store %arg6[%swap3A_320, %swap3A_321], %swap3A_324 {add = true, strides = array<i32>} : memref<8x4096xf32, #tpu.memory_space<vmem>>, vector<1x16xf32>,
        %scan3A_325 = arith.constant 2 : i32
        %scan3A_326 = arith.addi %scan3A_299, %scan3A_325 : i32
        %mul3A_327 = arith.constant 1 : i32
        %mul3A_328 = arith.muli %scan3A_326, %mul3A_327 : i32
        %add3A_329 = arith.constant 0 : i32
        %add3A_330 = arith.addi %add3A_329, %mul3A_328 : i32
        %mul3A_331 = arith.constant 16 : i32
        %mul3A_332 = arith.muli %add3A_330, %mul3A_331 : i32
        %swap3A_333 = arith.constant 4 : i32
        %swap3A_334 = arith.index_cast %swap3A_333 : i32 to index
        %swap3A_335 = arith.index_cast %mul3A_332 : i32 to index
        %swap3A_336 = tpu.vector_load %arg6[%swap3A_334, %swap3A_335] {strides = array<i32>} : memref<8x4096xf32, #tpu.memory_space<vmem>>, vector<1x16xf32>,
        %swap3A_337 = vector.shape_cast %swap3A_336 : vector<1x16xf32> to vector<16xf32>
        %swap3A_338 = vector.shape_cast %get3A_244 : vector<16xf32> to vector<1x16xf32>
        tpu.vector_store %arg6[%swap3A_334, %swap3A_335], %swap3A_338 {add = true, strides = array<i32>} : memref<8x4096xf32, #tpu.memory_space<vmem>>, vector<1x16xf32>,
        %scan3A_339 = arith.constant 3 : i32
        %scan3A_340 = arith.addi %scan3A_299, %scan3A_339 : i32
        %mul3A_341 = arith.constant 1 : i32
        %mul3A_342 = arith.muli %scan3A_340, %mul3A_341 : i32
        %add3A_343 = arith.constant 0 : i32
        %add3A_344 = arith.addi %add3A_343, %mul3A_342 : i32
        %mul3A_345 = arith.constant 16 : i32
        %mul3A_346 = arith.muli %add3A_344, %mul3A_345 : i32
        %swap3A_347 = arith.constant 4 : i32
        %swap3A_348 = arith.index_cast %swap3A_347 : i32 to index
        %swap3A_349 = arith.index_cast %mul3A_346 : i32 to index
        %swap3A_350 = tpu.vector_load %arg6[%swap3A_348, %swap3A_349] {strides = array<i32>} : memref<8x4096xf32, #tpu.memory_space<vmem>>, vector<1x16xf32>,
        %swap3A_351 = vector.shape_cast %swap3A_350 : vector<1x16xf32> to vector<16xf32>
        %swap3A_352 = vector.shape_cast %get3A_244 : vector<16xf32> to vector<1x16xf32>
        tpu.vector_store %arg6[%swap3A_348, %swap3A_349], %swap3A_352 {add = true, strides = array<i32>} : memref<8x4096xf32, #tpu.memory_space<vmem>>, vector<1x16xf32>,
        %scan3A_353 = arith.constant 4 : i32
        %scan3A_354 = arith.addi %scan3A_299, %scan3A_353 : i32
        %mul3A_355 = arith.constant 1 : i32
        %mul3A_356 = arith.muli %scan3A_354, %mul3A_355 : i32
        %add3A_357 = arith.constant 0 : i32
        %add3A_358 = arith.addi %add3A_357, %mul3A_356 : i32
        %mul3A_359 = arith.constant 16 : i32
        %mul3A_360 = arith.muli %add3A_358, %mul3A_359 : i32
        %swap3A_361 = arith.constant 4 : i32
        %swap3A_362 = arith.index_cast %swap3A_361 : i32 to index
        %swap3A_363 = arith.index_cast %mul3A_360 : i32 to index
        %swap3A_364 = tpu.vector_load %arg6[%swap3A_362, %swap3A_363] {strides = array<i32>} : memref<8x4096xf32, #tpu.memory_space<vmem>>, vector<1x16xf32>,
        %swap3A_365 = vector.shape_cast %swap3A_364 : vector<1x16xf32> to vector<16xf32>
        %swap3A_366 = vector.shape_cast %get3A_244 : vector<16xf32> to vector<1x16xf32>
        tpu.vector_store %arg6[%swap3A_362, %swap3A_363], %swap3A_366 {add = true, strides = array<i32>} : memref<8x4096xf32, #tpu.memory_space<vmem>>, vector<1x16xf32>,
        %scan3A_367 = arith.constant 5 : i32
        %scan3A_368 = arith.addi %scan3A_299, %scan3A_367 : i32
        %mul3A_369 = arith.constant 1 : i32
        %mul3A_370 = arith.muli %scan3A_368, %mul3A_369 : i32
        %add3A_371 = arith.constant 0 : i32
        %add3A_372 = arith.addi %add3A_371, %mul3A_370 : i32
        %mul3A_373 = arith.constant 16 : i32
        %mul3A_374 = arith.muli %add3A_372, %mul3A_373 : i32
        %swap3A_375 = arith.constant 4 : i32
        %swap3A_376 = arith.index_cast %swap3A_375 : i32 to index
        %swap3A_377 = arith.index_cast %mul3A_374 : i32 to index
        %swap3A_378 = tpu.vector_load %arg6[%swap3A_376, %swap3A_377] {strides = array<i32>} : memref<8x4096xf32, #tpu.memory_space<vmem>>, vector<1x16xf32>,
        %swap3A_379 = vector.shape_cast %swap3A_378 : vector<1x16xf32> to vector<16xf32>
        %swap3A_380 = vector.shape_cast %get3A_244 : vector<16xf32> to vector<1x16xf32>
        tpu.vector_store %arg6[%swap3A_376, %swap3A_377], %swap3A_380 {add = true, strides = array<i32>} : memref<8x4096xf32, #tpu.memory_space<vmem>>, vector<1x16xf32>,
        %scan3A_381 = arith.constant 6 : i32
        %scan3A_382 = arith.addi %scan3A_299, %scan3A_381 : i32
        %mul3A_383 = arith.constant 1 : i32
        %mul3A_384 = arith.muli %scan3A_382, %mul3A_383 : i32
        %add3A_385 = arith.constant 0 : i32
        %add3A_386 = arith.addi %add3A_385, %mul3A_384 : i32
        %mul3A_387 = arith.constant 16 : i32
        %mul3A_388 = arith.muli %add3A_386, %mul3A_387 : i32
        %swap3A_389 = arith.constant 4 : i32
        %swap3A_390 = arith.index_cast %swap3A_389 : i32 to index
        %swap3A_391 = arith.index_cast %mul3A_388 : i32 to index
        %swap3A_392 = tpu.vector_load %arg6[%swap3A_390, %swap3A_391] {strides = array<i32>} : memref<8x4096xf32, #tpu.memory_space<vmem>>, vector<1x16xf32>,
        %swap3A_393 = vector.shape_cast %swap3A_392 : vector<1x16xf32> to vector<16xf32>
        %swap3A_394 = vector.shape_cast %get3A_244 : vector<16xf32> to vector<1x16xf32>
        tpu.vector_store %arg6[%swap3A_390, %swap3A_391], %swap3A_394 {add = true, strides = array<i32>} : memref<8x4096xf32, #tpu.memory_space<vmem>>, vector<1x16xf32>,
        %scan3A_395 = arith.constant 7 : i32
        %scan3A_396 = arith.addi %scan3A_299, %scan3A_395 : i32
        %mul3A_397 = arith.constant 1 : i32
        %mul3A_398 = arith.muli %scan3A_396, %mul3A_397 : i32
        %add3A_399 = arith.constant 0 : i32
        %add3A_400 = arith.addi %add3A_399, %mul3A_398 : i32
        %mul3A_401 = arith.constant 16 : i32
        %mul3A_402 = arith.muli %add3A_400, %mul3A_401 : i32
        %swap3A_403 = arith.constant 4 : i32
        %swap3A_404 = arith.index_cast %swap3A_403 : i32 to index
        %swap3A_405 = arith.index_cast %mul3A_402 : i32 to index
        %swap3A_406 = tpu.vector_load %arg6[%swap3A_404, %swap3A_405] {strides = array<i32>} : memref<8x4096xf32, #tpu.memory_space<vmem>>, vector<1x16xf32>,
        %swap3A_407 = vector.shape_cast %swap3A_406 : vector<1x16xf32> to vector<16xf32>
        %swap3A_408 = vector.shape_cast %get3A_244 : vector<16xf32> to vector<1x16xf32>
        tpu.vector_store %arg6[%swap3A_404, %swap3A_405], %swap3A_408 {add = true, strides = array<i32>} : memref<8x4096xf32, #tpu.memory_space<vmem>>, vector<1x16xf32>,
      }
      %scan3A_249 = arith.constant 256 : i32
      %mul3A_250 = arith.constant 8 : i32
      %mul3A_251 = arith.muli %add3A_160, %mul3A_250 : i32
      %add3A_252 = arith.constant 5 : i32
      %add3A_253 = arith.addi %mul3A_251, %add3A_252 : i32
      %mul3A_254 = arith.constant 16 : i32
      %mul3A_255 = arith.muli %add3A_253, %mul3A_254 : i32
      %get3A_256 = arith.index_cast %mul3A_255 : i32 to index
      %get3A_257 = tpu.vector_load %arg7[%get3A_256] {strides = array<i32>} : memref<6400xf32, #tpu.memory_space<vmem>>, vector<16xf32>,
      %get3A_258 = vector.shape_cast %get3A_257 : vector<16xf32> to vector<16xf32>
      %scan3A_259 = arith.constant 0 : i32
      %scan3A_260 = arith.constant 256 : i32
      %scan3A_261 = arith.addi %scan3A_259, %scan3A_260 : i32
      %scan3A_262 = arith.constant 8 : i32
      scf.for %scan3A_299 = %scan3A_259 to %scan3A_261 step %scan3A_262  : i32 {
        %mul3A_300 = arith.constant 1 : i32
        %mul3A_301 = arith.muli %scan3A_299, %mul3A_300 : i32
        %add3A_302 = arith.constant 0 : i32
        %add3A_303 = arith.addi %add3A_302, %mul3A_301 : i32
        %mul3A_304 = arith.constant 16 : i32
        %mul3A_305 = arith.muli %add3A_303, %mul3A_304 : i32
        %swap3A = arith.constant 5 : i32
        %swap3A_306 = arith.index_cast %swap3A : i32 to index
        %swap3A_307 = arith.index_cast %mul3A_305 : i32 to index
        %swap3A_308 = tpu.vector_load %arg6[%swap3A_306, %swap3A_307] {strides = array<i32>} : memref<8x4096xf32, #tpu.memory_space<vmem>>, vector<1x16xf32>,
        %swap3A_309 = vector.shape_cast %swap3A_308 : vector<1x16xf32> to vector<16xf32>
        %swap3A_310 = vector.shape_cast %get3A_258 : vector<16xf32> to vector<1x16xf32>
        tpu.vector_store %arg6[%swap3A_306, %swap3A_307], %swap3A_310 {add = true, strides = array<i32>} : memref<8x4096xf32, #tpu.memory_space<vmem>>, vector<1x16xf32>,
        %scan3A_311 = arith.constant 1 : i32
        %scan3A_312 = arith.addi %scan3A_299, %scan3A_311 : i32
        %mul3A_313 = arith.constant 1 : i32
        %mul3A_314 = arith.muli %scan3A_312, %mul3A_313 : i32
        %add3A_315 = arith.constant 0 : i32
        %add3A_316 = arith.addi %add3A_315, %mul3A_314 : i32
        %mul3A_317 = arith.constant 16 : i32
        %mul3A_318 = arith.muli %add3A_316, %mul3A_317 : i32
        %swap3A_319 = arith.constant 5 : i32
        %swap3A_320 = arith.index_cast %swap3A_319 : i32 to index
        %swap3A_321 = arith.index_cast %mul3A_318 : i32 to index
        %swap3A_322 = tpu.vector_load %arg6[%swap3A_320, %swap3A_321] {strides = array<i32>} : memref<8x4096xf32, #tpu.memory_space<vmem>>, vector<1x16xf32>,
        %swap3A_323 = vector.shape_cast %swap3A_322 : vector<1x16xf32> to vector<16xf32>
        %swap3A_324 = vector.shape_cast %get3A_258 : vector<16xf32> to vector<1x16xf32>
        tpu.vector_store %arg6[%swap3A_320, %swap3A_321], %swap3A_324 {add = true, strides = array<i32>} : memref<8x4096xf32, #tpu.memory_space<vmem>>, vector<1x16xf32>,
        %scan3A_325 = arith.constant 2 : i32
        %scan3A_326 = arith.addi %scan3A_299, %scan3A_325 : i32
        %mul3A_327 = arith.constant 1 : i32
        %mul3A_328 = arith.muli %scan3A_326, %mul3A_327 : i32
        %add3A_329 = arith.constant 0 : i32
        %add3A_330 = arith.addi %add3A_329, %mul3A_328 : i32
        %mul3A_331 = arith.constant 16 : i32
        %mul3A_332 = arith.muli %add3A_330, %mul3A_331 : i32
        %swap3A_333 = arith.constant 5 : i32
        %swap3A_334 = arith.index_cast %swap3A_333 : i32 to index
        %swap3A_335 = arith.index_cast %mul3A_332 : i32 to index
        %swap3A_336 = tpu.vector_load %arg6[%swap3A_334, %swap3A_335] {strides = array<i32>} : memref<8x4096xf32, #tpu.memory_space<vmem>>, vector<1x16xf32>,
        %swap3A_337 = vector.shape_cast %swap3A_336 : vector<1x16xf32> to vector<16xf32>
        %swap3A_338 = vector.shape_cast %get3A_258 : vector<16xf32> to vector<1x16xf32>
        tpu.vector_store %arg6[%swap3A_334, %swap3A_335], %swap3A_338 {add = true, strides = array<i32>} : memref<8x4096xf32, #tpu.memory_space<vmem>>, vector<1x16xf32>,
        %scan3A_339 = arith.constant 3 : i32
        %scan3A_340 = arith.addi %scan3A_299, %scan3A_339 : i32
        %mul3A_341 = arith.constant 1 : i32
        %mul3A_342 = arith.muli %scan3A_340, %mul3A_341 : i32
        %add3A_343 = arith.constant 0 : i32
        %add3A_344 = arith.addi %add3A_343, %mul3A_342 : i32
        %mul3A_345 = arith.constant 16 : i32
        %mul3A_346 = arith.muli %add3A_344, %mul3A_345 : i32
        %swap3A_347 = arith.constant 5 : i32
        %swap3A_348 = arith.index_cast %swap3A_347 : i32 to index
        %swap3A_349 = arith.index_cast %mul3A_346 : i32 to index
        %swap3A_350 = tpu.vector_load %arg6[%swap3A_348, %swap3A_349] {strides = array<i32>} : memref<8x4096xf32, #tpu.memory_space<vmem>>, vector<1x16xf32>,
        %swap3A_351 = vector.shape_cast %swap3A_350 : vector<1x16xf32> to vector<16xf32>
        %swap3A_352 = vector.shape_cast %get3A_258 : vector<16xf32> to vector<1x16xf32>
        tpu.vector_store %arg6[%swap3A_348, %swap3A_349], %swap3A_352 {add = true, strides = array<i32>} : memref<8x4096xf32, #tpu.memory_space<vmem>>, vector<1x16xf32>,
        %scan3A_353 = arith.constant 4 : i32
        %scan3A_354 = arith.addi %scan3A_299, %scan3A_353 : i32
        %mul3A_355 = arith.constant 1 : i32
        %mul3A_356 = arith.muli %scan3A_354, %mul3A_355 : i32
        %add3A_357 = arith.constant 0 : i32
        %add3A_358 = arith.addi %add3A_357, %mul3A_356 : i32
        %mul3A_359 = arith.constant 16 : i32
        %mul3A_360 = arith.muli %add3A_358, %mul3A_359 : i32
        %swap3A_361 = arith.constant 5 : i32
        %swap3A_362 = arith.index_cast %swap3A_361 : i32 to index
        %swap3A_363 = arith.index_cast %mul3A_360 : i32 to index
        %swap3A_364 = tpu.vector_load %arg6[%swap3A_362, %swap3A_363] {strides = array<i32>} : memref<8x4096xf32, #tpu.memory_space<vmem>>, vector<1x16xf32>,
        %swap3A_365 = vector.shape_cast %swap3A_364 : vector<1x16xf32> to vector<16xf32>
        %swap3A_366 = vector.shape_cast %get3A_258 : vector<16xf32> to vector<1x16xf32>
        tpu.vector_store %arg6[%swap3A_362, %swap3A_363], %swap3A_366 {add = true, strides = array<i32>} : memref<8x4096xf32, #tpu.memory_space<vmem>>, vector<1x16xf32>,
        %scan3A_367 = arith.constant 5 : i32
        %scan3A_368 = arith.addi %scan3A_299, %scan3A_367 : i32
        %mul3A_369 = arith.constant 1 : i32
        %mul3A_370 = arith.muli %scan3A_368, %mul3A_369 : i32
        %add3A_371 = arith.constant 0 : i32
        %add3A_372 = arith.addi %add3A_371, %mul3A_370 : i32
        %mul3A_373 = arith.constant 16 : i32
        %mul3A_374 = arith.muli %add3A_372, %mul3A_373 : i32
        %swap3A_375 = arith.constant 5 : i32
        %swap3A_376 = arith.index_cast %swap3A_375 : i32 to index
        %swap3A_377 = arith.index_cast %mul3A_374 : i32 to index
        %swap3A_378 = tpu.vector_load %arg6[%swap3A_376, %swap3A_377] {strides = array<i32>} : memref<8x4096xf32, #tpu.memory_space<vmem>>, vector<1x16xf32>,
        %swap3A_379 = vector.shape_cast %swap3A_378 : vector<1x16xf32> to vector<16xf32>
        %swap3A_380 = vector.shape_cast %get3A_258 : vector<16xf32> to vector<1x16xf32>
        tpu.vector_store %arg6[%swap3A_376, %swap3A_377], %swap3A_380 {add = true, strides = array<i32>} : memref<8x4096xf32, #tpu.memory_space<vmem>>, vector<1x16xf32>,
        %scan3A_381 = arith.constant 6 : i32
        %scan3A_382 = arith.addi %scan3A_299, %scan3A_381 : i32
        %mul3A_383 = arith.constant 1 : i32
        %mul3A_384 = arith.muli %scan3A_382, %mul3A_383 : i32
        %add3A_385 = arith.constant 0 : i32
        %add3A_386 = arith.addi %add3A_385, %mul3A_384 : i32
        %mul3A_387 = arith.constant 16 : i32
        %mul3A_388 = arith.muli %add3A_386, %mul3A_387 : i32
        %swap3A_389 = arith.constant 5 : i32
        %swap3A_390 = arith.index_cast %swap3A_389 : i32 to index
        %swap3A_391 = arith.index_cast %mul3A_388 : i32 to index
        %swap3A_392 = tpu.vector_load %arg6[%swap3A_390, %swap3A_391] {strides = array<i32>} : memref<8x4096xf32, #tpu.memory_space<vmem>>, vector<1x16xf32>,
        %swap3A_393 = vector.shape_cast %swap3A_392 : vector<1x16xf32> to vector<16xf32>
        %swap3A_394 = vector.shape_cast %get3A_258 : vector<16xf32> to vector<1x16xf32>
        tpu.vector_store %arg6[%swap3A_390, %swap3A_391], %swap3A_394 {add = true, strides = array<i32>} : memref<8x4096xf32, #tpu.memory_space<vmem>>, vector<1x16xf32>,
        %scan3A_395 = arith.constant 7 : i32
        %scan3A_396 = arith.addi %scan3A_299, %scan3A_395 : i32
        %mul3A_397 = arith.constant 1 : i32
        %mul3A_398 = arith.muli %scan3A_396, %mul3A_397 : i32
        %add3A_399 = arith.constant 0 : i32
        %add3A_400 = arith.addi %add3A_399, %mul3A_398 : i32
        %mul3A_401 = arith.constant 16 : i32
        %mul3A_402 = arith.muli %add3A_400, %mul3A_401 : i32
        %swap3A_403 = arith.constant 5 : i32
        %swap3A_404 = arith.index_cast %swap3A_403 : i32 to index
        %swap3A_405 = arith.index_cast %mul3A_402 : i32 to index
        %swap3A_406 = tpu.vector_load %arg6[%swap3A_404, %swap3A_405] {strides = array<i32>} : memref<8x4096xf32, #tpu.memory_space<vmem>>, vector<1x16xf32>,
        %swap3A_407 = vector.shape_cast %swap3A_406 : vector<1x16xf32> to vector<16xf32>
        %swap3A_408 = vector.shape_cast %get3A_258 : vector<16xf32> to vector<1x16xf32>
        tpu.vector_store %arg6[%swap3A_404, %swap3A_405], %swap3A_408 {add = true, strides = array<i32>} : memref<8x4096xf32, #tpu.memory_space<vmem>>, vector<1x16xf32>,
      }
      %scan3A_263 = arith.constant 256 : i32
      %mul3A_264 = arith.constant 8 : i32
      %mul3A_265 = arith.muli %add3A_160, %mul3A_264 : i32
      %add3A_266 = arith.constant 6 : i32
      %add3A_267 = arith.addi %mul3A_265, %add3A_266 : i32
      %mul3A_268 = arith.constant 16 : i32
      %mul3A_269 = arith.muli %add3A_267, %mul3A_268 : i32
      %get3A_270 = arith.index_cast %mul3A_269 : i32 to index
      %get3A_271 = tpu.vector_load %arg7[%get3A_270] {strides = array<i32>} : memref<6400xf32, #tpu.memory_space<vmem>>, vector<16xf32>,
      %get3A_272 = vector.shape_cast %get3A_271 : vector<16xf32> to vector<16xf32>
      %scan3A_273 = arith.constant 0 : i32
      %scan3A_274 = arith.constant 256 : i32
      %scan3A_275 = arith.addi %scan3A_273, %scan3A_274 : i32
      %scan3A_276 = arith.constant 8 : i32
      scf.for %scan3A_299 = %scan3A_273 to %scan3A_275 step %scan3A_276  : i32 {
        %mul3A_300 = arith.constant 1 : i32
        %mul3A_301 = arith.muli %scan3A_299, %mul3A_300 : i32
        %add3A_302 = arith.constant 0 : i32
        %add3A_303 = arith.addi %add3A_302, %mul3A_301 : i32
        %mul3A_304 = arith.constant 16 : i32
        %mul3A_305 = arith.muli %add3A_303, %mul3A_304 : i32
        %swap3A = arith.constant 6 : i32
        %swap3A_306 = arith.index_cast %swap3A : i32 to index
        %swap3A_307 = arith.index_cast %mul3A_305 : i32 to index
        %swap3A_308 = tpu.vector_load %arg6[%swap3A_306, %swap3A_307] {strides = array<i32>} : memref<8x4096xf32, #tpu.memory_space<vmem>>, vector<1x16xf32>,
        %swap3A_309 = vector.shape_cast %swap3A_308 : vector<1x16xf32> to vector<16xf32>
        %swap3A_310 = vector.shape_cast %get3A_272 : vector<16xf32> to vector<1x16xf32>
        tpu.vector_store %arg6[%swap3A_306, %swap3A_307], %swap3A_310 {add = true, strides = array<i32>} : memref<8x4096xf32, #tpu.memory_space<vmem>>, vector<1x16xf32>,
        %scan3A_311 = arith.constant 1 : i32
        %scan3A_312 = arith.addi %scan3A_299, %scan3A_311 : i32
        %mul3A_313 = arith.constant 1 : i32
        %mul3A_314 = arith.muli %scan3A_312, %mul3A_313 : i32
        %add3A_315 = arith.constant 0 : i32
        %add3A_316 = arith.addi %add3A_315, %mul3A_314 : i32
        %mul3A_317 = arith.constant 16 : i32
        %mul3A_318 = arith.muli %add3A_316, %mul3A_317 : i32
        %swap3A_319 = arith.constant 6 : i32
        %swap3A_320 = arith.index_cast %swap3A_319 : i32 to index
        %swap3A_321 = arith.index_cast %mul3A_318 : i32 to index
        %swap3A_322 = tpu.vector_load %arg6[%swap3A_320, %swap3A_321] {strides = array<i32>} : memref<8x4096xf32, #tpu.memory_space<vmem>>, vector<1x16xf32>,
        %swap3A_323 = vector.shape_cast %swap3A_322 : vector<1x16xf32> to vector<16xf32>
        %swap3A_324 = vector.shape_cast %get3A_272 : vector<16xf32> to vector<1x16xf32>
        tpu.vector_store %arg6[%swap3A_320, %swap3A_321], %swap3A_324 {add = true, strides = array<i32>} : memref<8x4096xf32, #tpu.memory_space<vmem>>, vector<1x16xf32>,
        %scan3A_325 = arith.constant 2 : i32
        %scan3A_326 = arith.addi %scan3A_299, %scan3A_325 : i32
        %mul3A_327 = arith.constant 1 : i32
        %mul3A_328 = arith.muli %scan3A_326, %mul3A_327 : i32
        %add3A_329 = arith.constant 0 : i32
        %add3A_330 = arith.addi %add3A_329, %mul3A_328 : i32
        %mul3A_331 = arith.constant 16 : i32
        %mul3A_332 = arith.muli %add3A_330, %mul3A_331 : i32
        %swap3A_333 = arith.constant 6 : i32
        %swap3A_334 = arith.index_cast %swap3A_333 : i32 to index
        %swap3A_335 = arith.index_cast %mul3A_332 : i32 to index
        %swap3A_336 = tpu.vector_load %arg6[%swap3A_334, %swap3A_335] {strides = array<i32>} : memref<8x4096xf32, #tpu.memory_space<vmem>>, vector<1x16xf32>,
        %swap3A_337 = vector.shape_cast %swap3A_336 : vector<1x16xf32> to vector<16xf32>
        %swap3A_338 = vector.shape_cast %get3A_272 : vector<16xf32> to vector<1x16xf32>
        tpu.vector_store %arg6[%swap3A_334, %swap3A_335], %swap3A_338 {add = true, strides = array<i32>} : memref<8x4096xf32, #tpu.memory_space<vmem>>, vector<1x16xf32>,
        %scan3A_339 = arith.constant 3 : i32
        %scan3A_340 = arith.addi %scan3A_299, %scan3A_339 : i32
        %mul3A_341 = arith.constant 1 : i32
        %mul3A_342 = arith.muli %scan3A_340, %mul3A_341 : i32
        %add3A_343 = arith.constant 0 : i32
        %add3A_344 = arith.addi %add3A_343, %mul3A_342 : i32
        %mul3A_345 = arith.constant 16 : i32
        %mul3A_346 = arith.muli %add3A_344, %mul3A_345 : i32
        %swap3A_347 = arith.constant 6 : i32
        %swap3A_348 = arith.index_cast %swap3A_347 : i32 to index
        %swap3A_349 = arith.index_cast %mul3A_346 : i32 to index
        %swap3A_350 = tpu.vector_load %arg6[%swap3A_348, %swap3A_349] {strides = array<i32>} : memref<8x4096xf32, #tpu.memory_space<vmem>>, vector<1x16xf32>,
        %swap3A_351 = vector.shape_cast %swap3A_350 : vector<1x16xf32> to vector<16xf32>
        %swap3A_352 = vector.shape_cast %get3A_272 : vector<16xf32> to vector<1x16xf32>
        tpu.vector_store %arg6[%swap3A_348, %swap3A_349], %swap3A_352 {add = true, strides = array<i32>} : memref<8x4096xf32, #tpu.memory_space<vmem>>, vector<1x16xf32>,
        %scan3A_353 = arith.constant 4 : i32
        %scan3A_354 = arith.addi %scan3A_299, %scan3A_353 : i32
        %mul3A_355 = arith.constant 1 : i32
        %mul3A_356 = arith.muli %scan3A_354, %mul3A_355 : i32
        %add3A_357 = arith.constant 0 : i32
        %add3A_358 = arith.addi %add3A_357, %mul3A_356 : i32
        %mul3A_359 = arith.constant 16 : i32
        %mul3A_360 = arith.muli %add3A_358, %mul3A_359 : i32
        %swap3A_361 = arith.constant 6 : i32
        %swap3A_362 = arith.index_cast %swap3A_361 : i32 to index
        %swap3A_363 = arith.index_cast %mul3A_360 : i32 to index
        %swap3A_364 = tpu.vector_load %arg6[%swap3A_362, %swap3A_363] {strides = array<i32>} : memref<8x4096xf32, #tpu.memory_space<vmem>>, vector<1x16xf32>,
        %swap3A_365 = vector.shape_cast %swap3A_364 : vector<1x16xf32> to vector<16xf32>
        %swap3A_366 = vector.shape_cast %get3A_272 : vector<16xf32> to vector<1x16xf32>
        tpu.vector_store %arg6[%swap3A_362, %swap3A_363], %swap3A_366 {add = true, strides = array<i32>} : memref<8x4096xf32, #tpu.memory_space<vmem>>, vector<1x16xf32>,
        %scan3A_367 = arith.constant 5 : i32
        %scan3A_368 = arith.addi %scan3A_299, %scan3A_367 : i32
        %mul3A_369 = arith.constant 1 : i32
        %mul3A_370 = arith.muli %scan3A_368, %mul3A_369 : i32
        %add3A_371 = arith.constant 0 : i32
        %add3A_372 = arith.addi %add3A_371, %mul3A_370 : i32
        %mul3A_373 = arith.constant 16 : i32
        %mul3A_374 = arith.muli %add3A_372, %mul3A_373 : i32
        %swap3A_375 = arith.constant 6 : i32
        %swap3A_376 = arith.index_cast %swap3A_375 : i32 to index
        %swap3A_377 = arith.index_cast %mul3A_374 : i32 to index
        %swap3A_378 = tpu.vector_load %arg6[%swap3A_376, %swap3A_377] {strides = array<i32>} : memref<8x4096xf32, #tpu.memory_space<vmem>>, vector<1x16xf32>,
        %swap3A_379 = vector.shape_cast %swap3A_378 : vector<1x16xf32> to vector<16xf32>
        %swap3A_380 = vector.shape_cast %get3A_272 : vector<16xf32> to vector<1x16xf32>
        tpu.vector_store %arg6[%swap3A_376, %swap3A_377], %swap3A_380 {add = true, strides = array<i32>} : memref<8x4096xf32, #tpu.memory_space<vmem>>, vector<1x16xf32>,
        %scan3A_381 = arith.constant 6 : i32
        %scan3A_382 = arith.addi %scan3A_299, %scan3A_381 : i32
        %mul3A_383 = arith.constant 1 : i32
        %mul3A_384 = arith.muli %scan3A_382, %mul3A_383 : i32
        %add3A_385 = arith.constant 0 : i32
        %add3A_386 = arith.addi %add3A_385, %mul3A_384 : i32
        %mul3A_387 = arith.constant 16 : i32
        %mul3A_388 = arith.muli %add3A_386, %mul3A_387 : i32
        %swap3A_389 = arith.constant 6 : i32
        %swap3A_390 = arith.index_cast %swap3A_389 : i32 to index
        %swap3A_391 = arith.index_cast %mul3A_388 : i32 to index
        %swap3A_392 = tpu.vector_load %arg6[%swap3A_390, %swap3A_391] {strides = array<i32>} : memref<8x4096xf32, #tpu.memory_space<vmem>>, vector<1x16xf32>,
        %swap3A_393 = vector.shape_cast %swap3A_392 : vector<1x16xf32> to vector<16xf32>
        %swap3A_394 = vector.shape_cast %get3A_272 : vector<16xf32> to vector<1x16xf32>
        tpu.vector_store %arg6[%swap3A_390, %swap3A_391], %swap3A_394 {add = true, strides = array<i32>} : memref<8x4096xf32, #tpu.memory_space<vmem>>, vector<1x16xf32>,
        %scan3A_395 = arith.constant 7 : i32
        %scan3A_396 = arith.addi %scan3A_299, %scan3A_395 : i32
        %mul3A_397 = arith.constant 1 : i32
        %mul3A_398 = arith.muli %scan3A_396, %mul3A_397 : i32
        %add3A_399 = arith.constant 0 : i32
        %add3A_400 = arith.addi %add3A_399, %mul3A_398 : i32
        %mul3A_401 = arith.constant 16 : i32
        %mul3A_402 = arith.muli %add3A_400, %mul3A_401 : i32
        %swap3A_403 = arith.constant 6 : i32
        %swap3A_404 = arith.index_cast %swap3A_403 : i32 to index
        %swap3A_405 = arith.index_cast %mul3A_402 : i32 to index
        %swap3A_406 = tpu.vector_load %arg6[%swap3A_404, %swap3A_405] {strides = array<i32>} : memref<8x4096xf32, #tpu.memory_space<vmem>>, vector<1x16xf32>,
        %swap3A_407 = vector.shape_cast %swap3A_406 : vector<1x16xf32> to vector<16xf32>
        %swap3A_408 = vector.shape_cast %get3A_272 : vector<16xf32> to vector<1x16xf32>
        tpu.vector_store %arg6[%swap3A_404, %swap3A_405], %swap3A_408 {add = true, strides = array<i32>} : memref<8x4096xf32, #tpu.memory_space<vmem>>, vector<1x16xf32>,
      }
      %scan3A_277 = arith.constant 256 : i32
      %mul3A_278 = arith.constant 8 : i32
      %mul3A_279 = arith.muli %add3A_160, %mul3A_278 : i32
      %add3A_280 = arith.constant 7 : i32
      %add3A_281 = arith.addi %mul3A_279, %add3A_280 : i32
      %mul3A_282 = arith.constant 16 : i32
      %mul3A_283 = arith.muli %add3A_281, %mul3A_282 : i32
      %get3A_284 = arith.index_cast %mul3A_283 : i32 to index
      %get3A_285 = tpu.vector_load %arg7[%get3A_284] {strides = array<i32>} : memref<6400xf32, #tpu.memory_space<vmem>>, vector<16xf32>,
      %get3A_286 = vector.shape_cast %get3A_285 : vector<16xf32> to vector<16xf32>
      %scan3A_287 = arith.constant 0 : i32
      %scan3A_288 = arith.constant 256 : i32
      %scan3A_289 = arith.addi %scan3A_287, %scan3A_288 : i32
      %scan3A_290 = arith.constant 8 : i32
      scf.for %scan3A_299 = %scan3A_287 to %scan3A_289 step %scan3A_290  : i32 {
        %mul3A_300 = arith.constant 1 : i32
        %mul3A_301 = arith.muli %scan3A_299, %mul3A_300 : i32
        %add3A_302 = arith.constant 0 : i32
        %add3A_303 = arith.addi %add3A_302, %mul3A_301 : i32
        %mul3A_304 = arith.constant 16 : i32
        %mul3A_305 = arith.muli %add3A_303, %mul3A_304 : i32
        %swap3A = arith.constant 7 : i32
        %swap3A_306 = arith.index_cast %swap3A : i32 to index
        %swap3A_307 = arith.index_cast %mul3A_305 : i32 to index
        %swap3A_308 = tpu.vector_load %arg6[%swap3A_306, %swap3A_307] {strides = array<i32>} : memref<8x4096xf32, #tpu.memory_space<vmem>>, vector<1x16xf32>,
        %swap3A_309 = vector.shape_cast %swap3A_308 : vector<1x16xf32> to vector<16xf32>
        %swap3A_310 = vector.shape_cast %get3A_286 : vector<16xf32> to vector<1x16xf32>
        tpu.vector_store %arg6[%swap3A_306, %swap3A_307], %swap3A_310 {add = true, strides = array<i32>} : memref<8x4096xf32, #tpu.memory_space<vmem>>, vector<1x16xf32>,
        %scan3A_311 = arith.constant 1 : i32
        %scan3A_312 = arith.addi %scan3A_299, %scan3A_311 : i32
        %mul3A_313 = arith.constant 1 : i32
        %mul3A_314 = arith.muli %scan3A_312, %mul3A_313 : i32
        %add3A_315 = arith.constant 0 : i32
        %add3A_316 = arith.addi %add3A_315, %mul3A_314 : i32
        %mul3A_317 = arith.constant 16 : i32
        %mul3A_318 = arith.muli %add3A_316, %mul3A_317 : i32
        %swap3A_319 = arith.constant 7 : i32
        %swap3A_320 = arith.index_cast %swap3A_319 : i32 to index
        %swap3A_321 = arith.index_cast %mul3A_318 : i32 to index
        %swap3A_322 = tpu.vector_load %arg6[%swap3A_320, %swap3A_321] {strides = array<i32>} : memref<8x4096xf32, #tpu.memory_space<vmem>>, vector<1x16xf32>,
        %swap3A_323 = vector.shape_cast %swap3A_322 : vector<1x16xf32> to vector<16xf32>
        %swap3A_324 = vector.shape_cast %get3A_286 : vector<16xf32> to vector<1x16xf32>
        tpu.vector_store %arg6[%swap3A_320, %swap3A_321], %swap3A_324 {add = true, strides = array<i32>} : memref<8x4096xf32, #tpu.memory_space<vmem>>, vector<1x16xf32>,
        %scan3A_325 = arith.constant 2 : i32
        %scan3A_326 = arith.addi %scan3A_299, %scan3A_325 : i32
        %mul3A_327 = arith.constant 1 : i32
        %mul3A_328 = arith.muli %scan3A_326, %mul3A_327 : i32
        %add3A_329 = arith.constant 0 : i32
        %add3A_330 = arith.addi %add3A_329, %mul3A_328 : i32
        %mul3A_331 = arith.constant 16 : i32
        %mul3A_332 = arith.muli %add3A_330, %mul3A_331 : i32
        %swap3A_333 = arith.constant 7 : i32
        %swap3A_334 = arith.index_cast %swap3A_333 : i32 to index
        %swap3A_335 = arith.index_cast %mul3A_332 : i32 to index
        %swap3A_336 = tpu.vector_load %arg6[%swap3A_334, %swap3A_335] {strides = array<i32>} : memref<8x4096xf32, #tpu.memory_space<vmem>>, vector<1x16xf32>,
        %swap3A_337 = vector.shape_cast %swap3A_336 : vector<1x16xf32> to vector<16xf32>
        %swap3A_338 = vector.shape_cast %get3A_286 : vector<16xf32> to vector<1x16xf32>
        tpu.vector_store %arg6[%swap3A_334, %swap3A_335], %swap3A_338 {add = true, strides = array<i32>} : memref<8x4096xf32, #tpu.memory_space<vmem>>, vector<1x16xf32>,
        %scan3A_339 = arith.constant 3 : i32
        %scan3A_340 = arith.addi %scan3A_299, %scan3A_339 : i32
        %mul3A_341 = arith.constant 1 : i32
        %mul3A_342 = arith.muli %scan3A_340, %mul3A_341 : i32
        %add3A_343 = arith.constant 0 : i32
        %add3A_344 = arith.addi %add3A_343, %mul3A_342 : i32
        %mul3A_345 = arith.constant 16 : i32
        %mul3A_346 = arith.muli %add3A_344, %mul3A_345 : i32
        %swap3A_347 = arith.constant 7 : i32
        %swap3A_348 = arith.index_cast %swap3A_347 : i32 to index
        %swap3A_349 = arith.index_cast %mul3A_346 : i32 to index
        %swap3A_350 = tpu.vector_load %arg6[%swap3A_348, %swap3A_349] {strides = array<i32>} : memref<8x4096xf32, #tpu.memory_space<vmem>>, vector<1x16xf32>,
        %swap3A_351 = vector.shape_cast %swap3A_350 : vector<1x16xf32> to vector<16xf32>
        %swap3A_352 = vector.shape_cast %get3A_286 : vector<16xf32> to vector<1x16xf32>
        tpu.vector_store %arg6[%swap3A_348, %swap3A_349], %swap3A_352 {add = true, strides = array<i32>} : memref<8x4096xf32, #tpu.memory_space<vmem>>, vector<1x16xf32>,
        %scan3A_353 = arith.constant 4 : i32
        %scan3A_354 = arith.addi %scan3A_299, %scan3A_353 : i32
        %mul3A_355 = arith.constant 1 : i32
        %mul3A_356 = arith.muli %scan3A_354, %mul3A_355 : i32
        %add3A_357 = arith.constant 0 : i32
        %add3A_358 = arith.addi %add3A_357, %mul3A_356 : i32
        %mul3A_359 = arith.constant 16 : i32
        %mul3A_360 = arith.muli %add3A_358, %mul3A_359 : i32
        %swap3A_361 = arith.constant 7 : i32
        %swap3A_362 = arith.index_cast %swap3A_361 : i32 to index
        %swap3A_363 = arith.index_cast %mul3A_360 : i32 to index
        %swap3A_364 = tpu.vector_load %arg6[%swap3A_362, %swap3A_363] {strides = array<i32>} : memref<8x4096xf32, #tpu.memory_space<vmem>>, vector<1x16xf32>,
        %swap3A_365 = vector.shape_cast %swap3A_364 : vector<1x16xf32> to vector<16xf32>
        %swap3A_366 = vector.shape_cast %get3A_286 : vector<16xf32> to vector<1x16xf32>
        tpu.vector_store %arg6[%swap3A_362, %swap3A_363], %swap3A_366 {add = true, strides = array<i32>} : memref<8x4096xf32, #tpu.memory_space<vmem>>, vector<1x16xf32>,
        %scan3A_367 = arith.constant 5 : i32
        %scan3A_368 = arith.addi %scan3A_299, %scan3A_367 : i32
        %mul3A_369 = arith.constant 1 : i32
        %mul3A_370 = arith.muli %scan3A_368, %mul3A_369 : i32
        %add3A_371 = arith.constant 0 : i32
        %add3A_372 = arith.addi %add3A_371, %mul3A_370 : i32
        %mul3A_373 = arith.constant 16 : i32
        %mul3A_374 = arith.muli %add3A_372, %mul3A_373 : i32
        %swap3A_375 = arith.constant 7 : i32
        %swap3A_376 = arith.index_cast %swap3A_375 : i32 to index
        %swap3A_377 = arith.index_cast %mul3A_374 : i32 to index
        %swap3A_378 = tpu.vector_load %arg6[%swap3A_376, %swap3A_377] {strides = array<i32>} : memref<8x4096xf32, #tpu.memory_space<vmem>>, vector<1x16xf32>,
        %swap3A_379 = vector.shape_cast %swap3A_378 : vector<1x16xf32> to vector<16xf32>
        %swap3A_380 = vector.shape_cast %get3A_286 : vector<16xf32> to vector<1x16xf32>
        tpu.vector_store %arg6[%swap3A_376, %swap3A_377], %swap3A_380 {add = true, strides = array<i32>} : memref<8x4096xf32, #tpu.memory_space<vmem>>, vector<1x16xf32>,
        %scan3A_381 = arith.constant 6 : i32
        %scan3A_382 = arith.addi %scan3A_299, %scan3A_381 : i32
        %mul3A_383 = arith.constant 1 : i32
        %mul3A_384 = arith.muli %scan3A_382, %mul3A_383 : i32
        %add3A_385 = arith.constant 0 : i32
        %add3A_386 = arith.addi %add3A_385, %mul3A_384 : i32
        %mul3A_387 = arith.constant 16 : i32
        %mul3A_388 = arith.muli %add3A_386, %mul3A_387 : i32
        %swap3A_389 = arith.constant 7 : i32
        %swap3A_390 = arith.index_cast %swap3A_389 : i32 to index
        %swap3A_391 = arith.index_cast %mul3A_388 : i32 to index
        %swap3A_392 = tpu.vector_load %arg6[%swap3A_390, %swap3A_391] {strides = array<i32>} : memref<8x4096xf32, #tpu.memory_space<vmem>>, vector<1x16xf32>,
        %swap3A_393 = vector.shape_cast %swap3A_392 : vector<1x16xf32> to vector<16xf32>
        %swap3A_394 = vector.shape_cast %get3A_286 : vector<16xf32> to vector<1x16xf32>
        tpu.vector_store %arg6[%swap3A_390, %swap3A_391], %swap3A_394 {add = true, strides = array<i32>} : memref<8x4096xf32, #tpu.memory_space<vmem>>, vector<1x16xf32>,
        %scan3A_395 = arith.constant 7 : i32
        %scan3A_396 = arith.addi %scan3A_299, %scan3A_395 : i32
        %mul3A_397 = arith.constant 1 : i32
        %mul3A_398 = arith.muli %scan3A_396, %mul3A_397 : i32
        %add3A_399 = arith.constant 0 : i32
        %add3A_400 = arith.addi %add3A_399, %mul3A_398 : i32
        %mul3A_401 = arith.constant 16 : i32
        %mul3A_402 = arith.muli %add3A_400, %mul3A_401 : i32
        %swap3A_403 = arith.constant 7 : i32
        %swap3A_404 = arith.index_cast %swap3A_403 : i32 to index
        %swap3A_405 = arith.index_cast %mul3A_402 : i32 to index
        %swap3A_406 = tpu.vector_load %arg6[%swap3A_404, %swap3A_405] {strides = array<i32>} : memref<8x4096xf32, #tpu.memory_space<vmem>>, vector<1x16xf32>,
        %swap3A_407 = vector.shape_cast %swap3A_406 : vector<1x16xf32> to vector<16xf32>
        %swap3A_408 = vector.shape_cast %get3A_286 : vector<16xf32> to vector<1x16xf32>
        tpu.vector_store %arg6[%swap3A_404, %swap3A_405], %swap3A_408 {add = true, strides = array<i32>} : memref<8x4096xf32, #tpu.memory_space<vmem>>, vector<1x16xf32>,
      }
      %scan3A_291 = arith.constant 256 : i32
      %mul3A_292 = arith.constant 8 : i32
      %mul3A_293 = arith.muli %add3A_160, %mul3A_292 : i32
      %add3A_294 = arith.addi %mul3A_2, %mul3A_293 : i32
      %dma_start3A_295 = arith.constant 0 : i32
      %dma_start3A_296 = tpu.memref_slice %arg4[%add3A_294, %dma_start3A_295] : memref<12800x4096xf32, #tpu.memory_space<hbm>> -> memref<8x4096xf32, #tpu.memory_space<hbm>>
      %dma_start3A_297 = arith.constant 0 : i32
      %dma_start3A_298 = tpu.memref_slice %arg4[%add3A_294, %dma_start3A_297] : memref<12800x4096xf32, #tpu.memory_space<hbm>> -> memref<8x4096xf32, #tpu.memory_space<hbm>>
      tpu.enqueue_dma source(%arg6 : memref<8x4096xf32, #tpu.memory_space<vmem>>) target(%dma_start3A_298 : memref<8x4096xf32, #tpu.memory_space<hbm>>) target_semaphore(%arg11 : memref<!tpu.dma_semaphore, #tpu.memory_space<semaphore_mem>>)
    }
    %scan3A_13 = arith.constant 25 : i32
    %add3A_14 = arith.constant 392 : i32
    %add3A_15 = arith.addi %mul3A_2, %add3A_14 : i32
    %dma_wait3A = arith.constant 0 : i32
    %dma_wait3A_16 = tpu.memref_slice %arg4[%add3A_15, %dma_wait3A] : memref<12800x4096xf32, #tpu.memory_space<hbm>> -> memref<8x4096xf32, #tpu.memory_space<hbm>>
    %dma_wait3A_17 = arith.constant 0 : i32
    %dma_wait3A_18 = tpu.memref_slice %arg4[%add3A_15, %dma_wait3A_17] : memref<12800x4096xf32, #tpu.memory_space<hbm>> -> memref<8x4096xf32, #tpu.memory_space<hbm>>
    tpu.wait_dma2 semaphore(%arg11 : memref<!tpu.dma_semaphore, #tpu.memory_space<semaphore_mem>>) src(%arg6 : memref<8x4096xf32, #tpu.memory_space<vmem>>) dst(%dma_wait3A_18 : memref<8x4096xf32, #tpu.memory_space<hbm>>)
    return
  }
}

</mosaic_0001>

<sc_bundles>
// kernel: kernel.3.cloned.1.call-start
scs
__scs_entry_jumppad:
0x0: {  	(pc) =	sbr.rel $0x88, $3  }
0x1: {  	(tag) =	ssettag $0x0;
	lr =	simm.s32 $0x1  }
0x2: {  	[smem:$0x3F9F] =	sst lr;
	_ =	strace $0xD0000000  }
0x3: {  	_ = 	snop  }
0x4: {  	_ = 	snop  }
0x5: {  	_ = 	snop  }
0x6: {  	_ = 	snop  }
0x7: {  	_ = 	snop  }
__scs_overlays_trampoline_lowered:
0x8: {  	[smem:$0x3FAE] =	sst s0  }
0x9: {  	[smem:$0x3FAF] =	sst s1  }
0xa: {  	[smem:$0x3FB0] =	sst s2  }
0xb: {  	[smem:$0x3FB1] =	sst s3  }
0xc: {  	[smem:$0x3FB2] =	sst s4  }
0xd: {  	[smem:$0x3FB3] =	sst s5  }
0xe: {  	[smem:$0x3FB4] =	sst s6  }
0xf: {  	[smem:$0x3FB5] =	sst s7  }
0x10: {  	[smem:$0x3FB6] =	sst s8  }
0x11: {  	[smem:$0x3FB7] =	sst s9;
	s0 =	simm.s32 @!p0 $0x0  }
0x12: {  	s1 =	sld [smem:$0x3F9D];
	s0 =	simm.s32 @p0 $0x1  }
0x13: {  	[smem:$0x3FB8] =	sst s0;
	s0 =	simm.s32 @!p1 $0x0  }
0x14: {  	s2 =	sld [smem:$0x3F9C];
	s0 =	simm.s32 @p1 $0x1  }
0x15: {  	[smem:$0x3FB9] =	sst s0;
	s0 =	simm.s32 @!p2 $0x0  }
0x16: {  	s3 =	sld [smem:$0x3FDB];
	s0 =	simm.s32 @p2 $0x1  }
0x17: {  	s4 =	simm.s32 $0x1BF5;
	[smem:$0x3FBB] =	sst s0  }
0x18: {  	s0 =	sld [smem:$0x3F9E];
	_ =	swait.ge [sflag:s4], $0x0  }
0x19: {  	s7 =	sld [smem:$0x3F9F]  }
0x1a: {  	s8 =	sadd.s32 $0xFFFFE003, lr  }
0x1b: {  	s9 =	sadd.s32 $0xFFFFFEF7, lr;
	s5 =	simm.s32 $0xFFFFFFFF;
	p2 =	slt.u32 s8, $0xFFFFF086  }
0x1c: {  	p1 =	slt.u32 s9, $0xF7A;
	s5 =	simm.s32 @!p2 $0x0  }
0x1d: {  	s5 =	simm.s32 @p1 $0x1;
	p0 =	seq.s32 s7, s2  }
0x1e: {  	s7 =	smul.u32 @!p0 $0xF7A, s2;
	p2 =	seq.s32 @!p0 s5, $0x0  }
0x1f: {  	s9 =	smul.u32 $0xF7A, s1;
	s8 =	simm.s32 @!p0 $0x1BF5;
	p2 =	por !p2, p0  }
0x20: {  	[sflag:s8] =	ssyncset.s32 @!p0 $0xFFFFF086;
	s6 =	sadd.s32 @!p0 s3, s7;
	s7 =	simm.s32 @!p0 $0x108  }
0x21: {  	s3 =	sadd.s32 s3, s9;
	s6 =	sadd.s32 @!p0 $0x88, s6;
	s7 =	simm.s32 @p2 $0x1082  }
0x22: {  	[simem:s7], [sflag:s8] =	dma.local @!p0 [hbm:s6], $0xF7A  }
0x23: {  	s9 =	sor.u32 $0xD0000000, s2;
	s6 =	simm.s32 $0x108;
	_ =	swait.ge @!p0 [sflag:s8], $0x0  }
0x24: {  	s3 =	sadd.s32 $0x88, s3;
	s6 =	simm.s32 @!p1 $0x1082;
	[sflag:s4] =	ssyncset.s32 $0xFFFFF086  }
0x25: {  	[simem:s6], [sflag:s4] =	dma.local [hbm:s3], $0xF7A  }
0x26: {  	[smem:$0x3F9F] =	sst s1;
	(tag) =	ssettag s2;
	_ =	strace s9  }
0x27: {  	s1 =	sld [smem:$0x3FAF]  }
0x28: {  	s2 =	sld [smem:$0x3FB0]  }
0x29: {  	s4 =	sld [smem:$0x3FB2]  }
0x2a: {  	p0 =	seq.s32 s5, $0x0;
	s5 =	sld [smem:$0x3FB3]  }
0x2b: {  	s6 =	sld [smem:$0x3FB4]  }
0x2c: {  	s7 =	sld [smem:$0x3FB5]  }
0x2d: {  	s3 =	simm.s32 $0x108;
	s8 =	sld [smem:$0x3FB6]  }
0x2e: {  	s3 =	simm.s32 @!p0 $0x1082;
	s9 =	sld [smem:$0x3FB7]  }
0x2f: {  	lr =	sadd.s32 s0, s3;
	s0 =	sld [smem:$0x3FAE]  }
0x30: {  	s3 =	sld [smem:$0x3FB1]  }
0x31: {  	[smem:$0x3FBA] =	sst s10  }
0x32: {  	s10 =	sld [smem:$0x3FB8];
	_ =	sdelay $0x3  }
0x33: {  	p0 =	seq.s32 s10, $0x1;
	s10 =	sld [smem:$0x3FBA];
	_ =	sdelay $0x3  }
0x34: {  	[smem:$0x3FBA] =	sst s10  }
0x35: {  	s10 =	sld [smem:$0x3FB9];
	_ =	sdelay $0x3  }
0x36: {  	p1 =	seq.s32 s10, $0x1;
	s10 =	sld [smem:$0x3FBA];
	_ =	sdelay $0x3  }
0x37: {  	[smem:$0x3FBA] =	sst s10  }
0x38: {  	s10 =	sld [smem:$0x3FBB]  }
0x39: {  	_ = 	snop;
	(pc) =	sbr.ind lr, $3  }
0x3a: {  	_ = 	snop  }
0x3b: {  	_ = 	snop  }
0x3c: {  	p2 =	seq.s32 s10, $0x1;
	s10 =	sld [smem:$0x3FBA]  }
0x3d: {  	_ =	shalt  }
0x3e: {  	_ =	shalt  }
0x3f: {  	_ =	shalt  }
0x40: {  	_ =	shalt  }
0x41: {  	_ =	shalt  }
0x42: {  	_ =	shalt  }
0x43: {  	_ =	shalt  }
0x44: {  	_ =	shalt  }
0x45: {  	_ =	shalt  }
0x46: {  	_ =	shalt  }
0x47: {  	_ =	shalt  }
0x48: {  	_ =	shalt  }
0x49: {  	_ =	shalt  }
0x4a: {  	_ =	shalt  }
0x4b: {  	_ =	shalt  }
0x4c: {  	_ =	shalt  }
0x4d: {  	_ =	shalt  }
0x4e: {  	_ =	shalt  }
0x4f: {  	_ =	shalt  }
0x50: {  	_ =	shalt  }
0x51: {  	_ =	shalt  }
0x52: {  	_ =	shalt  }
0x53: {  	_ =	shalt  }
0x54: {  	_ =	shalt  }
0x55: {  	_ =	shalt  }
0x56: {  	_ =	shalt  }
0x57: {  	_ =	shalt  }
0x58: {  	_ =	shalt  }
0x59: {  	_ =	shalt  }
0x5a: {  	_ =	shalt  }
0x5b: {  	_ =	shalt  }
0x5c: {  	_ =	shalt  }
0x5d: {  	_ =	shalt  }
0x5e: {  	_ =	shalt  }
0x5f: {  	_ =	shalt  }
0x60: {  	_ =	shalt  }
0x61: {  	_ =	shalt  }
0x62: {  	_ =	shalt  }
0x63: {  	_ =	shalt  }
0x64: {  	_ =	shalt  }
0x65: {  	_ =	shalt  }
0x66: {  	_ =	shalt  }
0x67: {  	_ =	shalt  }
0x68: {  	_ =	shalt  }
0x69: {  	_ =	shalt  }
0x6a: {  	_ =	shalt  }
0x6b: {  	_ =	shalt  }
0x6c: {  	_ =	shalt  }
0x6d: {  	_ =	shalt  }
0x6e: {  	_ =	shalt  }
0x6f: {  	_ =	shalt  }
0x70: {  	_ =	shalt  }
0x71: {  	_ =	shalt  }
0x72: {  	_ =	shalt  }
0x73: {  	_ =	shalt  }
0x74: {  	_ =	shalt  }
0x75: {  	_ =	shalt  }
0x76: {  	_ =	shalt  }
0x77: {  	_ =	shalt  }
0x78: {  	_ =	shalt  }
0x79: {  	_ =	shalt  }
0x7a: {  	_ =	shalt  }
0x7b: {  	_ =	shalt  }
0x7c: {  	_ =	shalt  }
0x7d: {  	_ =	shalt  }
0x7e: {  	_ =	shalt  }
0x7f: {  	_ =	shalt  }
0x80: {  	_ =	shalt  }
0x81: {  	_ =	shalt  }
0x82: {  	_ =	shalt  }
0x83: {  	_ =	shalt  }
0x84: {  	_ =	shalt  }
0x85: {  	_ =	shalt  }
0x86: {  	_ =	shalt  }
0x87: {  	_ =	shalt  }
.Lfunc_end0:
.L_simem_size_0:
called_computation_lowered:
.L_overlay_start_0:
0x88: {  	s2 =	sld [smem:$0x3FD9]  }
0x89: {  	s3 =	sld [smem:$0x3FFE];
	_ =	sdelay $0x1  }
0x8a: {  	s1 =	srdreg.scid  }
0x8b: {  	s0 =	sand.u32 $0x1, s1  }
0x8c: {  	s17 =	sshll.u32 s0, $0xA;
	s2 =	sadd.s32 s3, s2  }
0x8d: {  	s2 =	sadd.s32 s2, s17  }
0x8e: {  	[smem:$0x3FC6] =	sst s2  }
0x8f: {  	_ = 	snop  }
0x90: {  	s2 =	sld [smem:$0x3FC9]  }
0x91: {  	s18 =	sld [smem:$0x3FD0];
	(tm) =	ssettm $0x1  }
0x92: {  	s4 =	sld [smem:$0x3FFB];
	_ =	sdelay $0x3  }
0x93: {  	_ =	strace s4  }
0x94: {  	s4 =	sld [smem:$0x3FFC];
	_ =	sdelay $0x3  }
0x95: {  	_ =	strace s4  }
0x96: {  	s4 =	sld [smem:$0x3FFD];
	_ =	sdelay $0x3  }
0x97: {  	_ =	strace s4  }
0x98: {  	_ =	strace $0x8FFFFFFF  }
0x99: {  	s19 =	sld [smem:$0x3FDB];
	_ =	sdelay $0x1  }
0x9a: {  	s5 =	simm.s32 $_scs_section_size  }
0x9b: {  	s6 =	simm.s32 $_size__tile_overlayer_lowered;
	s7 =	simm.s32 $_tile_overlayer_lowered  }
0x9c: {  	s22 =	simm.s32 $0x1BFF;
	s21 =	sshll.u32 s7, $0x1;
	s4 =	sadd.s32 s5, s19  }
0x9d: {  	s8 =	simm.s32 $0x0;
	s20 =	sshll.u32 s6, $0x1;
	s6 =	sadd.s32 s21, s4  }
0x9e: {  	[timem:s8], [sflag:s22] =	dma.local [hbm:s6], s20  }
0x9f: {  	_ =	swait.ge [sflag:s22], s20  }
0xa0: {  	s5 =	ssub.s32 $0x0, s20;
	[sflag:s22] =	ssyncset.done $0x0  }
0xa1: {  	[sflag:s22] =	ssyncadd.s32 s5;
	_ =	sdelay $0x1  }
0xa2: {  	s23 =	simm.s32 $0x1B8B  }
0xa3: {  	_ =	swait.ge [sflag:s23], $0x1  }
0xa4: {  	[sflag:s23] =	ssyncset.done $0x0  }
0xa5: {  	s25 =	simm.s32 $0x1B8E;
	s24 =	sld [smem:$0x3FFE];
	[sflag:s23] =	ssyncadd.s32 $0xFFFFFFFF  }
0xa6: {  	s26 =	simm.s32 $execute0_lowered;
	[smem:$0x3FD2] =	sst s25  }
0xa7: {  	s6 =	sshll.u32 s26, $0x1;
	_ =	strace $0x80000046;
	[dreg:$0x1] =	wrdreg $0xFFFFFFFF  }
0xa8: {  	s28 =	simm.s32 $_size_execute0_lowered;
	s4 =	sadd.s32 s4, s6;
	[dreg:$0x0] =	wrdreg $0x0  }
0xa9: {  	s6 =	sshll.u32 s28, $0x1;
	[dreg:$0x2] =	wrdreg s4  }
0xaa: {  	[dreg:$0x3] =	wrdreg s6  }
0xab: {  	[dreg:$0x4] =	wrdreg $0xC0  }
0xac: {  	_ =	task [dreg:s8], $0x5FFFF  }
0xad: {  	[dreg:$0x1] =	wrdreg $0xFFFFFFFF  }
0xae: {  	[dreg:$0x0] =	wrdreg $0x60  }
0xaf: {  	[dreg:$0x2] =	wrdreg s2  }
0xb0: {  	[dreg:$0x3] =	wrdreg s24  }
0xb1: {  	[dreg:$0x4] =	wrdreg s18  }
0xb2: {  	[dreg:$0x5] =	wrdreg $0x9  }
0xb3: {  	_ =	task.clear_ibuf [dreg:s8], $0x6FFFF;
	_ =	strace $0x90000046  }
0xb4: {  	s29 =	simm.s32 $0x9;
	_ =	strace $0x80000048  }
0xb5: {  	_ =	swait.ge [sflag:s29], $0x1  }
0xb6: {  	[sflag:s29] =	ssyncadd.s32 $0xFFFFFFFF  }
0xb7: {  	_ =	strace $0x90000048  }
0xb8: {  	_ =	sfence  }
0xb9: {  	s30 =	sld [smem:$0x0];
	_ =	sdelay $0x2  }
0xba: {  	s31 =	sshll.u32 s1, $0xD;
	s1 =	sshrl.u32 s1, $0x2  }
0xbb: {  	s3 =	sand.u32 $0x4000, s31;
	s1 =	sadd.s32 s1, s30  }
0xbc: {  	s0 =	sor.u32 s3, s0;
	s1 =	sshll.u32 s1, $0x11  }
0xbd: {  	s0 =	sor.u32 s1, s0  }
0xbe: {  	s0 =	sadd.s32 $0x8F2B, s0  }
0xbf: {  	[sflag:s0] =	ssyncadd.remote.s32 $0x1  }
0xc0: {  	_ =	sfence.sel $0xFFFF  }
0xc1: {  	[dreg:$0x0] =	wrdreg $0xFFFFFFFF;
	(pc) =	sbr.abs _section_cstart, $3  }
0xc2: {  	[dreg:$0x1] =	wrdreg $0xFFFFFFFF  }
0xc3: {  	_ =	task.clear_ibuf [dreg:s8], $0x2FFFF;
	_ =	strace $0x9FFFFFFF  }
0xc4: {  	(tm) =	ssettm $0x7FFFFFFF  }
0xc5: {  	_ =	shalt  }
tec
execute0_lowered:
.L_overlay_start_1:
0x0: {  	(tag) =	ssettag $0x1  }
0x1: {  	s1 =	rddreg [dreg:$0x0]  }
0x2: {  	s2 =	srdreg.scid;
	s6 =	rddreg [dreg:$0x1]  }
0x3: {  	s0 =	stileid.u32;
	s3 =	rddreg [dreg:$0x2]  }
0x4: {  	s4 =	simm.s32 $0x0;
	s12 =	simm.s32 $0x5;
	s13 =	simm.s32 $0x8000  }
0x5: {  	s14 =	simm.s32 $0x1;
	s5 =	sand.u32 $0x1, s2;
	s31 =	sshll.u32 s0, $0x1  }
0x6: {  	s15 =	simm.s32 $0x3;
	s16 =	simm.s32 $0x2;
	s8 =	sor.u32 s5, s31  }
0x7: {  	s17 =	simm.s32 $0x4;
	s18 =	simm.s32 $0x0;
	s7 =	smul.u32 $0x320, s8  }
0x8: {  	s2 =	rddreg [dreg:$0x3];
	s9 =	ssub.s32 $0x2, s5;
	s10 =	smul.u32 $0x32000, s8  }
0x9: {  	[smem:$0x7FF] =	sst s4;
	s11 =	sshrl.u32 s9, $0x1;
	s5 =	smul.u32 $0x32, s8  }
0xa: {  	_ =	strace $0x80000047;
	s8 =	smul.u32 $0x190000, s8;
	s11 =	ssub.s32 s9, s11  }
0xb: {  	s7 =	sadd.s32 s7, s6;
	s6 =	sadd.s32 s1, s10;
	s9 =	sadd.s32 $0x2, s5  }
0xc: {  	s10 =	smax.u32 s11, $0x1;
	s11 =	simm.s32 $0x10000;
	s7 =	sadd.s32 $0x400, s7  }
.LBB2_1:
0xd: {  	[tilespmem:s4], [sflag:$0x1] =	stream.linear.gather [hbm4b:s6+s4], $0x8000, $0x38;
	[tilespmem:$0x11900] =	vst v63  }
0xe: {  	_ = 	snop  }
0xf: {  	[tilespmem:s11], [sflag:$0x5] =	stream.linear.gather [hbm4b:s7+s4], $0x1900, $0x38;
	[tilespmem:$0x11900] =	vst v63  }
0x10: {  	_ =	swait.ge [sflag:s12], $0x1900  }
0x11: {  	[sflag:s12] =	ssyncset.done $0x0  }
0x12: {  	s19 =	simm.s32 $0x0;
	[sflag:s12] =	ssyncadd.s32 $0xFFFFE700  }
.LBB2_2:
0x13: {  	s22 =	sshll.u32 s19, $0x1  }
0x14: {  	p0 =	seq.s32 s19, $0x0;
	s21 =	sor.u32 $0x1, s22  }
0x15: {  	s23 =	simm.s32 @!p0 $0x4;
	s20 =	sadd.s32 s5, s21  }
0x16: {  	_ =	swait.ge @!p0 [sflag:s23], $0x8000;
	s20 =	sshll.u32 s20, $0xC  }
0x17: {  	[sflag:s23] =	ssyncset.done @!p0 $0x0;
	s20 =	sand.u32 $0x1FFFF000, s20  }
0x18: {  	[sflag:s23] =	ssyncadd.s32 @!p0 $0xFFFF8000;
	s30 =	sadd.s32 s1, s20  }
0x19: {  	[tilespmem:s13], [sflag:$0x2] =	stream.linear.gather [hbm4b:s30+s4], $0x8000, $0x38;
	[tilespmem:$0x11900] =	vst v63  }
0x1a: {  	_ =	swait.ge [sflag:s14], $0x8000  }
0x1b: {  	s31 =	sshll.u32 s19, $0x8;
	[sflag:s14] =	ssyncset.done $0x0  }
0x1c: {  	s23 =	sand.u32 $0x3FFFFF00, s31;
	[sflag:s14] =	ssyncadd.s32 $0xFFFF8000  }
0x1d: {  	v0 =	vld [tilespmem:s23+$0x10000];
	_ =	sdelay $0x3  }
0x1e: {  	s24 =	simm.s32 $0x70  }
0x1f: {  	[tilespmem:s24+$0xFFFFFF90] =	vst.add.f32.msk $0xffff, v0  }
0x20: {  	[tilespmem:s24+$0x0] =	vst.add.f32.msk $0xffff, v0  }
0x21: {  	[tilespmem:s24+$0xFFFFFFF0] =	vst.add.f32.msk $0xffff, v0  }
0x22: {  	[tilespmem:s24+$0xFFFFFFE0] =	vst.add.f32.msk $0xffff, v0  }
0x23: {  	[tilespmem:s24+$0xFFFFFFD0] =	vst.add.f32.msk $0xffff, v0  }
0x24: {  	[tilespmem:s24+$0xFFFFFFC0] =	vst.add.f32.msk $0xffff, v0  }
0x25: {  	s25 =	simm.s32 $0x0;
	[tilespmem:s24+$0xFFFFFFB0] =	vst.add.f32.msk $0xffff, v0  }
.LBB2_3:
0x26: {  	s25 =	sadd.s32 $0x8, s25;
	[tilespmem:s24+$0xFFFFFFA0] =	vst.add.f32.msk $0xffff, v0;
	s24 =	sadd.s32 $0x400, s24  }
0x27: {  	[tilespmem:s24+$0xFFFFFF90] =	vst.add.f32.msk $0xffff, v0;
	p0 =	slt.u32 s25, $0xF8  }
0x28: {  	[tilespmem:s24+$0x0] =	vst.add.f32.msk $0xffff, v0  }
.Ltmp0:
0x29: {  	[tilespmem:s24+$0xFFFFFFF0] =	vst.add.f32.msk $0xffff, v0;
	(pc) =	sbr.rel @p0 .LBB2_3-.Ltmp0, $4  }
0x2a: {  	[tilespmem:s24+$0xFFFFFFE0] =	vst.add.f32.msk $0xffff, v0  }
0x2b: {  	[tilespmem:s24+$0xFFFFFFD0] =	vst.add.f32.msk $0xffff, v0  }
0x2c: {  	[tilespmem:s24+$0xFFFFFFC0] =	vst.add.f32.msk $0xffff, v0  }
0x2d: {  	[tilespmem:s24+$0xFFFFFFB0] =	vst.add.f32.msk $0xffff, v0  }
0x2e: {  	[tilespmem:s24+$0xFFFFFFA0] =	vst.add.f32.msk $0xffff, v0  }
0x2f: {  	v0 =	vld [tilespmem:s23+$0x10010];
	_ =	sdelay $0x3  }
0x30: {  	s24 =	simm.s32 $0xF0  }
0x31: {  	[tilespmem:s24+$0xFFFFFF90] =	vst.add.f32.msk $0xffff, v0  }
0x32: {  	[tilespmem:s24+$0x0] =	vst.add.f32.msk $0xffff, v0  }
0x33: {  	[tilespmem:s24+$0xFFFFFFF0] =	vst.add.f32.msk $0xffff, v0  }
0x34: {  	[tilespmem:s24+$0xFFFFFFE0] =	vst.add.f32.msk $0xffff, v0  }
0x35: {  	[tilespmem:s24+$0xFFFFFFD0] =	vst.add.f32.msk $0xffff, v0  }
0x36: {  	[tilespmem:s24+$0xFFFFFFC0] =	vst.add.f32.msk $0xffff, v0  }
0x37: {  	s25 =	simm.s32 $0x0;
	[tilespmem:s24+$0xFFFFFFB0] =	vst.add.f32.msk $0xffff, v0  }
.LBB2_5:
0x38: {  	s25 =	sadd.s32 $0x8, s25;
	[tilespmem:s24+$0xFFFFFFA0] =	vst.add.f32.msk $0xffff, v0;
	s24 =	sadd.s32 $0x400, s24  }
0x39: {  	[tilespmem:s24+$0xFFFFFF90] =	vst.add.f32.msk $0xffff, v0;
	p0 =	slt.u32 s25, $0xF8  }
0x3a: {  	[tilespmem:s24+$0x0] =	vst.add.f32.msk $0xffff, v0  }
.Ltmp1:
0x3b: {  	[tilespmem:s24+$0xFFFFFFF0] =	vst.add.f32.msk $0xffff, v0;
	(pc) =	sbr.rel @p0 .LBB2_5-.Ltmp1, $4  }
0x3c: {  	[tilespmem:s24+$0xFFFFFFE0] =	vst.add.f32.msk $0xffff, v0  }
0x3d: {  	[tilespmem:s24+$0xFFFFFFD0] =	vst.add.f32.msk $0xffff, v0  }
0x3e: {  	[tilespmem:s24+$0xFFFFFFC0] =	vst.add.f32.msk $0xffff, v0  }
0x3f: {  	[tilespmem:s24+$0xFFFFFFB0] =	vst.add.f32.msk $0xffff, v0  }
0x40: {  	[tilespmem:s24+$0xFFFFFFA0] =	vst.add.f32.msk $0xffff, v0  }
0x41: {  	v0 =	vld [tilespmem:s23+$0x10020];
	_ =	sdelay $0x3  }
0x42: {  	s24 =	simm.s32 $0x170  }
0x43: {  	[tilespmem:s24+$0xFFFFFF90] =	vst.add.f32.msk $0xffff, v0  }
0x44: {  	[tilespmem:s24+$0x0] =	vst.add.f32.msk $0xffff, v0  }
0x45: {  	[tilespmem:s24+$0xFFFFFFF0] =	vst.add.f32.msk $0xffff, v0  }
0x46: {  	[tilespmem:s24+$0xFFFFFFE0] =	vst.add.f32.msk $0xffff, v0  }
0x47: {  	[tilespmem:s24+$0xFFFFFFD0] =	vst.add.f32.msk $0xffff, v0  }
0x48: {  	[tilespmem:s24+$0xFFFFFFC0] =	vst.add.f32.msk $0xffff, v0  }
0x49: {  	s25 =	simm.s32 $0x0;
	[tilespmem:s24+$0xFFFFFFB0] =	vst.add.f32.msk $0xffff, v0  }
.LBB2_7:
0x4a: {  	s25 =	sadd.s32 $0x8, s25;
	[tilespmem:s24+$0xFFFFFFA0] =	vst.add.f32.msk $0xffff, v0;
	s24 =	sadd.s32 $0x400, s24  }
0x4b: {  	[tilespmem:s24+$0xFFFFFF90] =	vst.add.f32.msk $0xffff, v0;
	p0 =	slt.u32 s25, $0xF8  }
0x4c: {  	[tilespmem:s24+$0x0] =	vst.add.f32.msk $0xffff, v0  }
.Ltmp2:
0x4d: {  	[tilespmem:s24+$0xFFFFFFF0] =	vst.add.f32.msk $0xffff, v0;
	(pc) =	sbr.rel @p0 .LBB2_7-.Ltmp2, $4  }
0x4e: {  	[tilespmem:s24+$0xFFFFFFE0] =	vst.add.f32.msk $0xffff, v0  }
0x4f: {  	[tilespmem:s24+$0xFFFFFFD0] =	vst.add.f32.msk $0xffff, v0  }
0x50: {  	[tilespmem:s24+$0xFFFFFFC0] =	vst.add.f32.msk $0xffff, v0  }
0x51: {  	[tilespmem:s24+$0xFFFFFFB0] =	vst.add.f32.msk $0xffff, v0  }
0x52: {  	[tilespmem:s24+$0xFFFFFFA0] =	vst.add.f32.msk $0xffff, v0  }
0x53: {  	v0 =	vld [tilespmem:s23+$0x10030];
	_ =	sdelay $0x3  }
0x54: {  	s24 =	simm.s32 $0x1F0  }
0x55: {  	[tilespmem:s24+$0xFFFFFF90] =	vst.add.f32.msk $0xffff, v0  }
0x56: {  	[tilespmem:s24+$0x0] =	vst.add.f32.msk $0xffff, v0  }
0x57: {  	[tilespmem:s24+$0xFFFFFFF0] =	vst.add.f32.msk $0xffff, v0  }
0x58: {  	[tilespmem:s24+$0xFFFFFFE0] =	vst.add.f32.msk $0xffff, v0  }
0x59: {  	[tilespmem:s24+$0xFFFFFFD0] =	vst.add.f32.msk $0xffff, v0  }
0x5a: {  	[tilespmem:s24+$0xFFFFFFC0] =	vst.add.f32.msk $0xffff, v0  }
0x5b: {  	s25 =	simm.s32 $0x0;
	[tilespmem:s24+$0xFFFFFFB0] =	vst.add.f32.msk $0xffff, v0  }
.LBB2_9:
0x5c: {  	s25 =	sadd.s32 $0x8, s25;
	[tilespmem:s24+$0xFFFFFFA0] =	vst.add.f32.msk $0xffff, v0;
	s24 =	sadd.s32 $0x400, s24  }
0x5d: {  	[tilespmem:s24+$0xFFFFFF90] =	vst.add.f32.msk $0xffff, v0;
	p0 =	slt.u32 s25, $0xF8  }
0x5e: {  	[tilespmem:s24+$0x0] =	vst.add.f32.msk $0xffff, v0  }
.Ltmp3:
0x5f: {  	[tilespmem:s24+$0xFFFFFFF0] =	vst.add.f32.msk $0xffff, v0;
	(pc) =	sbr.rel @p0 .LBB2_9-.Ltmp3, $4  }
0x60: {  	[tilespmem:s24+$0xFFFFFFE0] =	vst.add.f32.msk $0xffff, v0  }
0x61: {  	[tilespmem:s24+$0xFFFFFFD0] =	vst.add.f32.msk $0xffff, v0  }
0x62: {  	[tilespmem:s24+$0xFFFFFFC0] =	vst.add.f32.msk $0xffff, v0  }
0x63: {  	[tilespmem:s24+$0xFFFFFFB0] =	vst.add.f32.msk $0xffff, v0  }
0x64: {  	[tilespmem:s24+$0xFFFFFFA0] =	vst.add.f32.msk $0xffff, v0  }
0x65: {  	v0 =	vld [tilespmem:s23+$0x10040];
	_ =	sdelay $0x3  }
0x66: {  	s24 =	simm.s32 $0x270  }
0x67: {  	[tilespmem:s24+$0xFFFFFF90] =	vst.add.f32.msk $0xffff, v0  }
0x68: {  	[tilespmem:s24+$0x0] =	vst.add.f32.msk $0xffff, v0  }
0x69: {  	[tilespmem:s24+$0xFFFFFFF0] =	vst.add.f32.msk $0xffff, v0  }
0x6a: {  	[tilespmem:s24+$0xFFFFFFE0] =	vst.add.f32.msk $0xffff, v0  }
0x6b: {  	[tilespmem:s24+$0xFFFFFFD0] =	vst.add.f32.msk $0xffff, v0  }
0x6c: {  	[tilespmem:s24+$0xFFFFFFC0] =	vst.add.f32.msk $0xffff, v0  }
0x6d: {  	s25 =	simm.s32 $0x0;
	[tilespmem:s24+$0xFFFFFFB0] =	vst.add.f32.msk $0xffff, v0  }
.LBB2_11:
0x6e: {  	s25 =	sadd.s32 $0x8, s25;
	[tilespmem:s24+$0xFFFFFFA0] =	vst.add.f32.msk $0xffff, v0;
	s24 =	sadd.s32 $0x400, s24  }
0x6f: {  	[tilespmem:s24+$0xFFFFFF90] =	vst.add.f32.msk $0xffff, v0;
	p0 =	slt.u32 s25, $0xF8  }
0x70: {  	[tilespmem:s24+$0x0] =	vst.add.f32.msk $0xffff, v0  }
.Ltmp4:
0x71: {  	[tilespmem:s24+$0xFFFFFFF0] =	vst.add.f32.msk $0xffff, v0;
	(pc) =	sbr.rel @p0 .LBB2_11-.Ltmp4, $4  }
0x72: {  	[tilespmem:s24+$0xFFFFFFE0] =	vst.add.f32.msk $0xffff, v0  }
0x73: {  	[tilespmem:s24+$0xFFFFFFD0] =	vst.add.f32.msk $0xffff, v0  }
0x74: {  	[tilespmem:s24+$0xFFFFFFC0] =	vst.add.f32.msk $0xffff, v0  }
0x75: {  	[tilespmem:s24+$0xFFFFFFB0] =	vst.add.f32.msk $0xffff, v0  }
0x76: {  	[tilespmem:s24+$0xFFFFFFA0] =	vst.add.f32.msk $0xffff, v0  }
0x77: {  	v0 =	vld [tilespmem:s23+$0x10050];
	_ =	sdelay $0x3  }
0x78: {  	s24 =	simm.s32 $0x2F0  }
0x79: {  	[tilespmem:s24+$0xFFFFFF90] =	vst.add.f32.msk $0xffff, v0  }
0x7a: {  	[tilespmem:s24+$0x0] =	vst.add.f32.msk $0xffff, v0  }
0x7b: {  	[tilespmem:s24+$0xFFFFFFF0] =	vst.add.f32.msk $0xffff, v0  }
0x7c: {  	[tilespmem:s24+$0xFFFFFFE0] =	vst.add.f32.msk $0xffff, v0  }
0x7d: {  	[tilespmem:s24+$0xFFFFFFD0] =	vst.add.f32.msk $0xffff, v0  }
0x7e: {  	[tilespmem:s24+$0xFFFFFFC0] =	vst.add.f32.msk $0xffff, v0  }
0x7f: {  	s25 =	simm.s32 $0x0;
	[tilespmem:s24+$0xFFFFFFB0] =	vst.add.f32.msk $0xffff, v0  }
.LBB2_13:
0x80: {  	s25 =	sadd.s32 $0x8, s25;
	[tilespmem:s24+$0xFFFFFFA0] =	vst.add.f32.msk $0xffff, v0;
	s24 =	sadd.s32 $0x400, s24  }
0x81: {  	[tilespmem:s24+$0xFFFFFF90] =	vst.add.f32.msk $0xffff, v0;
	p0 =	slt.u32 s25, $0xF8  }
0x82: {  	[tilespmem:s24+$0x0] =	vst.add.f32.msk $0xffff, v0  }
.Ltmp5:
0x83: {  	[tilespmem:s24+$0xFFFFFFF0] =	vst.add.f32.msk $0xffff, v0;
	(pc) =	sbr.rel @p0 .LBB2_13-.Ltmp5, $4  }
0x84: {  	[tilespmem:s24+$0xFFFFFFE0] =	vst.add.f32.msk $0xffff, v0  }
0x85: {  	[tilespmem:s24+$0xFFFFFFD0] =	vst.add.f32.msk $0xffff, v0  }
0x86: {  	[tilespmem:s24+$0xFFFFFFC0] =	vst.add.f32.msk $0xffff, v0  }
0x87: {  	[tilespmem:s24+$0xFFFFFFB0] =	vst.add.f32.msk $0xffff, v0  }
0x88: {  	[tilespmem:s24+$0xFFFFFFA0] =	vst.add.f32.msk $0xffff, v0  }
0x89: {  	v0 =	vld [tilespmem:s23+$0x10060];
	_ =	sdelay $0x3  }
0x8a: {  	s24 =	simm.s32 $0x370  }
0x8b: {  	[tilespmem:s24+$0xFFFFFF90] =	vst.add.f32.msk $0xffff, v0  }
0x8c: {  	[tilespmem:s24+$0x0] =	vst.add.f32.msk $0xffff, v0  }
0x8d: {  	[tilespmem:s24+$0xFFFFFFF0] =	vst.add.f32.msk $0xffff, v0  }
0x8e: {  	[tilespmem:s24+$0xFFFFFFE0] =	vst.add.f32.msk $0xffff, v0  }
0x8f: {  	[tilespmem:s24+$0xFFFFFFD0] =	vst.add.f32.msk $0xffff, v0  }
0x90: {  	[tilespmem:s24+$0xFFFFFFC0] =	vst.add.f32.msk $0xffff, v0  }
0x91: {  	s25 =	simm.s32 $0x0;
	[tilespmem:s24+$0xFFFFFFB0] =	vst.add.f32.msk $0xffff, v0  }
.LBB2_15:
0x92: {  	s25 =	sadd.s32 $0x8, s25;
	[tilespmem:s24+$0xFFFFFFA0] =	vst.add.f32.msk $0xffff, v0;
	s24 =	sadd.s32 $0x400, s24  }
0x93: {  	[tilespmem:s24+$0xFFFFFF90] =	vst.add.f32.msk $0xffff, v0;
	p0 =	slt.u32 s25, $0xF8  }
0x94: {  	[tilespmem:s24+$0x0] =	vst.add.f32.msk $0xffff, v0  }
.Ltmp6:
0x95: {  	[tilespmem:s24+$0xFFFFFFF0] =	vst.add.f32.msk $0xffff, v0;
	(pc) =	sbr.rel @p0 .LBB2_15-.Ltmp6, $4  }
0x96: {  	[tilespmem:s24+$0xFFFFFFE0] =	vst.add.f32.msk $0xffff, v0  }
0x97: {  	[tilespmem:s24+$0xFFFFFFD0] =	vst.add.f32.msk $0xffff, v0  }
0x98: {  	[tilespmem:s24+$0xFFFFFFC0] =	vst.add.f32.msk $0xffff, v0  }
0x99: {  	[tilespmem:s24+$0xFFFFFFB0] =	vst.add.f32.msk $0xffff, v0  }
0x9a: {  	[tilespmem:s24+$0xFFFFFFA0] =	vst.add.f32.msk $0xffff, v0  }
0x9b: {  	v0 =	vld [tilespmem:s23+$0x10070];
	_ =	sdelay $0x3  }
0x9c: {  	s23 =	simm.s32 $0x3F0  }
0x9d: {  	[tilespmem:s23+$0xFFFFFF90] =	vst.add.f32.msk $0xffff, v0  }
0x9e: {  	[tilespmem:s23+$0x0] =	vst.add.f32.msk $0xffff, v0  }
0x9f: {  	[tilespmem:s23+$0xFFFFFFF0] =	vst.add.f32.msk $0xffff, v0  }
0xa0: {  	[tilespmem:s23+$0xFFFFFFE0] =	vst.add.f32.msk $0xffff, v0  }
0xa1: {  	[tilespmem:s23+$0xFFFFFFD0] =	vst.add.f32.msk $0xffff, v0  }
0xa2: {  	[tilespmem:s23+$0xFFFFFFC0] =	vst.add.f32.msk $0xffff, v0  }
0xa3: {  	s24 =	simm.s32 $0x0;
	[tilespmem:s23+$0xFFFFFFB0] =	vst.add.f32.msk $0xffff, v0  }
.LBB2_17:
0xa4: {  	s24 =	sadd.s32 $0x8, s24;
	[tilespmem:s23+$0xFFFFFFA0] =	vst.add.f32.msk $0xffff, v0;
	s23 =	sadd.s32 $0x400, s23  }
0xa5: {  	[tilespmem:s23+$0xFFFFFF90] =	vst.add.f32.msk $0xffff, v0;
	p0 =	slt.u32 s24, $0xF8  }
0xa6: {  	[tilespmem:s23+$0x0] =	vst.add.f32.msk $0xffff, v0  }
.Ltmp7:
0xa7: {  	[tilespmem:s23+$0xFFFFFFF0] =	vst.add.f32.msk $0xffff, v0;
	(pc) =	sbr.rel @p0 .LBB2_17-.Ltmp7, $4  }
0xa8: {  	[tilespmem:s23+$0xFFFFFFE0] =	vst.add.f32.msk $0xffff, v0  }
0xa9: {  	[tilespmem:s23+$0xFFFFFFD0] =	vst.add.f32.msk $0xffff, v0  }
0xaa: {  	[tilespmem:s23+$0xFFFFFFC0] =	vst.add.f32.msk $0xffff, v0  }
0xab: {  	[tilespmem:s23+$0xFFFFFFB0] =	vst.add.f32.msk $0xffff, v0  }
0xac: {  	s24 =	sshll.u32 s19, $0x10  }
0xad: {  	s24 =	sadd.s32 s8, s24  }
0xae: {  	p0 =	seq.s32 s19, $0x18;
	s24 =	sshrl.u32 s24, $0x3  }
0xaf: {  	[tilespmem:s23+$0xFFFFFFA0] =	vst.add.f32.msk $0xffff, v0;
	s22 =	sadd.s32 @!p0 s22, s9;
	s31 =	sadd.s32 s3, s24  }
0xb0: {  	[hbm4b:s31+s4] =	stream.linear.scatter [tilespmem:s4], [sflag:$0x3], $0x8000, $0x38;
	[tilespmem:$0x11900] =	vst v63  }
0xb1: {  	s22 =	sshll.u32 @!p0 s22, $0xC;
	_ =	swait.ge [sflag:s15], $0x8000  }
0xb2: {  	s22 =	sand.u32 @!p0 $0x1FFFE000, s22;
	[sflag:s15] =	ssyncset.done $0x0  }
0xb3: {  	s23 =	simm.s32 @!p0 $0x0;
	s22 =	sadd.s32 @!p0 s1, s22;
	[sflag:s15] =	ssyncadd.s32 $0xFFFF8000  }
0xb4: {  	[tilespmem:s23], [sflag:$0x1] =	stream.linear.gather @!p0 [hbm4b:s22+s23], $0x8000, $0x38;
	[tilespmem:$0x11900] =	vst v63  }
0xb5: {  	_ =	swait.ge [sflag:s16], $0x8000  }
0xb6: {  	s21 =	sshll.u32 s21, $0x7;
	[sflag:s16] =	ssyncset.done $0x0  }
0xb7: {  	s21 =	sand.u32 $0x3FFFFF80, s21;
	[sflag:s16] =	ssyncadd.s32 $0xFFFF8000  }
0xb8: {  	v0 =	vld [tilespmem:s21+$0x10000];
	_ =	sdelay $0x3  }
0xb9: {  	s22 =	simm.s32 $0x8070  }
0xba: {  	[tilespmem:s22+$0xFFFFFF90] =	vst.add.f32.msk $0xffff, v0  }
0xbb: {  	[tilespmem:s22+$0x0] =	vst.add.f32.msk $0xffff, v0  }
0xbc: {  	[tilespmem:s22+$0xFFFFFFF0] =	vst.add.f32.msk $0xffff, v0  }
0xbd: {  	[tilespmem:s22+$0xFFFFFFE0] =	vst.add.f32.msk $0xffff, v0  }
0xbe: {  	[tilespmem:s22+$0xFFFFFFD0] =	vst.add.f32.msk $0xffff, v0  }
0xbf: {  	[tilespmem:s22+$0xFFFFFFC0] =	vst.add.f32.msk $0xffff, v0  }
0xc0: {  	s23 =	simm.s32 $0x0;
	[tilespmem:s22+$0xFFFFFFB0] =	vst.add.f32.msk $0xffff, v0  }
.LBB2_19:
0xc1: {  	s23 =	sadd.s32 $0x8, s23;
	[tilespmem:s22+$0xFFFFFFA0] =	vst.add.f32.msk $0xffff, v0;
	s22 =	sadd.s32 $0x400, s22  }
0xc2: {  	[tilespmem:s22+$0xFFFFFF90] =	vst.add.f32.msk $0xffff, v0;
	p0 =	slt.u32 s23, $0xF8  }
0xc3: {  	[tilespmem:s22+$0x0] =	vst.add.f32.msk $0xffff, v0  }
.Ltmp8:
0xc4: {  	[tilespmem:s22+$0xFFFFFFF0] =	vst.add.f32.msk $0xffff, v0;
	(pc) =	sbr.rel @p0 .LBB2_19-.Ltmp8, $4  }
0xc5: {  	[tilespmem:s22+$0xFFFFFFE0] =	vst.add.f32.msk $0xffff, v0  }
0xc6: {  	[tilespmem:s22+$0xFFFFFFD0] =	vst.add.f32.msk $0xffff, v0  }
0xc7: {  	[tilespmem:s22+$0xFFFFFFC0] =	vst.add.f32.msk $0xffff, v0  }
0xc8: {  	[tilespmem:s22+$0xFFFFFFB0] =	vst.add.f32.msk $0xffff, v0  }
0xc9: {  	[tilespmem:s22+$0xFFFFFFA0] =	vst.add.f32.msk $0xffff, v0  }
0xca: {  	v0 =	vld [tilespmem:s21+$0x10010];
	_ =	sdelay $0x3  }
0xcb: {  	s22 =	simm.s32 $0x80F0  }
0xcc: {  	[tilespmem:s22+$0xFFFFFF90] =	vst.add.f32.msk $0xffff, v0  }
0xcd: {  	[tilespmem:s22+$0x0] =	vst.add.f32.msk $0xffff, v0  }
0xce: {  	[tilespmem:s22+$0xFFFFFFF0] =	vst.add.f32.msk $0xffff, v0  }
0xcf: {  	[tilespmem:s22+$0xFFFFFFE0] =	vst.add.f32.msk $0xffff, v0  }
0xd0: {  	[tilespmem:s22+$0xFFFFFFD0] =	vst.add.f32.msk $0xffff, v0  }
0xd1: {  	[tilespmem:s22+$0xFFFFFFC0] =	vst.add.f32.msk $0xffff, v0  }
0xd2: {  	s23 =	simm.s32 $0x0;
	[tilespmem:s22+$0xFFFFFFB0] =	vst.add.f32.msk $0xffff, v0  }
.LBB2_21:
0xd3: {  	s23 =	sadd.s32 $0x8, s23;
	[tilespmem:s22+$0xFFFFFFA0] =	vst.add.f32.msk $0xffff, v0;
	s22 =	sadd.s32 $0x400, s22  }
0xd4: {  	[tilespmem:s22+$0xFFFFFF90] =	vst.add.f32.msk $0xffff, v0;
	p0 =	slt.u32 s23, $0xF8  }
0xd5: {  	[tilespmem:s22+$0x0] =	vst.add.f32.msk $0xffff, v0  }
.Ltmp9:
0xd6: {  	[tilespmem:s22+$0xFFFFFFF0] =	vst.add.f32.msk $0xffff, v0;
	(pc) =	sbr.rel @p0 .LBB2_21-.Ltmp9, $4  }
0xd7: {  	[tilespmem:s22+$0xFFFFFFE0] =	vst.add.f32.msk $0xffff, v0  }
0xd8: {  	[tilespmem:s22+$0xFFFFFFD0] =	vst.add.f32.msk $0xffff, v0  }
0xd9: {  	[tilespmem:s22+$0xFFFFFFC0] =	vst.add.f32.msk $0xffff, v0  }
0xda: {  	[tilespmem:s22+$0xFFFFFFB0] =	vst.add.f32.msk $0xffff, v0  }
0xdb: {  	[tilespmem:s22+$0xFFFFFFA0] =	vst.add.f32.msk $0xffff, v0  }
0xdc: {  	v0 =	vld [tilespmem:s21+$0x10020];
	_ =	sdelay $0x3  }
0xdd: {  	s22 =	simm.s32 $0x8170  }
0xde: {  	[tilespmem:s22+$0xFFFFFF90] =	vst.add.f32.msk $0xffff, v0  }
0xdf: {  	[tilespmem:s22+$0x0] =	vst.add.f32.msk $0xffff, v0  }
0xe0: {  	[tilespmem:s22+$0xFFFFFFF0] =	vst.add.f32.msk $0xffff, v0  }
0xe1: {  	[tilespmem:s22+$0xFFFFFFE0] =	vst.add.f32.msk $0xffff, v0  }
0xe2: {  	[tilespmem:s22+$0xFFFFFFD0] =	vst.add.f32.msk $0xffff, v0  }
0xe3: {  	[tilespmem:s22+$0xFFFFFFC0] =	vst.add.f32.msk $0xffff, v0  }
0xe4: {  	s23 =	simm.s32 $0x0;
	[tilespmem:s22+$0xFFFFFFB0] =	vst.add.f32.msk $0xffff, v0  }
.LBB2_23:
0xe5: {  	s23 =	sadd.s32 $0x8, s23;
	[tilespmem:s22+$0xFFFFFFA0] =	vst.add.f32.msk $0xffff, v0;
	s22 =	sadd.s32 $0x400, s22  }
0xe6: {  	[tilespmem:s22+$0xFFFFFF90] =	vst.add.f32.msk $0xffff, v0;
	p0 =	slt.u32 s23, $0xF8  }
0xe7: {  	[tilespmem:s22+$0x0] =	vst.add.f32.msk $0xffff, v0  }
.Ltmp10:
0xe8: {  	[tilespmem:s22+$0xFFFFFFF0] =	vst.add.f32.msk $0xffff, v0;
	(pc) =	sbr.rel @p0 .LBB2_23-.Ltmp10, $4  }
0xe9: {  	[tilespmem:s22+$0xFFFFFFE0] =	vst.add.f32.msk $0xffff, v0  }
0xea: {  	[tilespmem:s22+$0xFFFFFFD0] =	vst.add.f32.msk $0xffff, v0  }
0xeb: {  	[tilespmem:s22+$0xFFFFFFC0] =	vst.add.f32.msk $0xffff, v0  }
0xec: {  	[tilespmem:s22+$0xFFFFFFB0] =	vst.add.f32.msk $0xffff, v0  }
0xed: {  	[tilespmem:s22+$0xFFFFFFA0] =	vst.add.f32.msk $0xffff, v0  }
0xee: {  	v0 =	vld [tilespmem:s21+$0x10030];
	_ =	sdelay $0x3  }
0xef: {  	s22 =	simm.s32 $0x81F0  }
0xf0: {  	[tilespmem:s22+$0xFFFFFF90] =	vst.add.f32.msk $0xffff, v0  }
0xf1: {  	[tilespmem:s22+$0x0] =	vst.add.f32.msk $0xffff, v0  }
0xf2: {  	[tilespmem:s22+$0xFFFFFFF0] =	vst.add.f32.msk $0xffff, v0  }
0xf3: {  	[tilespmem:s22+$0xFFFFFFE0] =	vst.add.f32.msk $0xffff, v0  }
0xf4: {  	[tilespmem:s22+$0xFFFFFFD0] =	vst.add.f32.msk $0xffff, v0  }
0xf5: {  	[tilespmem:s22+$0xFFFFFFC0] =	vst.add.f32.msk $0xffff, v0  }
0xf6: {  	s23 =	simm.s32 $0x0;
	[tilespmem:s22+$0xFFFFFFB0] =	vst.add.f32.msk $0xffff, v0  }
.LBB2_25:
0xf7: {  	s23 =	sadd.s32 $0x8, s23;
	[tilespmem:s22+$0xFFFFFFA0] =	vst.add.f32.msk $0xffff, v0;
	s22 =	sadd.s32 $0x400, s22  }
0xf8: {  	[tilespmem:s22+$0xFFFFFF90] =	vst.add.f32.msk $0xffff, v0;
	p0 =	slt.u32 s23, $0xF8  }
0xf9: {  	[tilespmem:s22+$0x0] =	vst.add.f32.msk $0xffff, v0  }
.Ltmp11:
0xfa: {  	[tilespmem:s22+$0xFFFFFFF0] =	vst.add.f32.msk $0xffff, v0;
	(pc) =	sbr.rel @p0 .LBB2_25-.Ltmp11, $4  }
0xfb: {  	[tilespmem:s22+$0xFFFFFFE0] =	vst.add.f32.msk $0xffff, v0  }
0xfc: {  	[tilespmem:s22+$0xFFFFFFD0] =	vst.add.f32.msk $0xffff, v0  }
0xfd: {  	[tilespmem:s22+$0xFFFFFFC0] =	vst.add.f32.msk $0xffff, v0  }
0xfe: {  	[tilespmem:s22+$0xFFFFFFB0] =	vst.add.f32.msk $0xffff, v0  }
0xff: {  	[tilespmem:s22+$0xFFFFFFA0] =	vst.add.f32.msk $0xffff, v0  }
0x100: {  	v0 =	vld [tilespmem:s21+$0x10040];
	_ =	sdelay $0x3  }
0x101: {  	s22 =	simm.s32 $0x8270  }
0x102: {  	[tilespmem:s22+$0xFFFFFF90] =	vst.add.f32.msk $0xffff, v0  }
0x103: {  	[tilespmem:s22+$0x0] =	vst.add.f32.msk $0xffff, v0  }
0x104: {  	[tilespmem:s22+$0xFFFFFFF0] =	vst.add.f32.msk $0xffff, v0  }
0x105: {  	[tilespmem:s22+$0xFFFFFFE0] =	vst.add.f32.msk $0xffff, v0  }
0x106: {  	[tilespmem:s22+$0xFFFFFFD0] =	vst.add.f32.msk $0xffff, v0  }
0x107: {  	[tilespmem:s22+$0xFFFFFFC0] =	vst.add.f32.msk $0xffff, v0  }
0x108: {  	s23 =	simm.s32 $0x0;
	[tilespmem:s22+$0xFFFFFFB0] =	vst.add.f32.msk $0xffff, v0  }
.LBB2_27:
0x109: {  	s23 =	sadd.s32 $0x8, s23;
	[tilespmem:s22+$0xFFFFFFA0] =	vst.add.f32.msk $0xffff, v0;
	s22 =	sadd.s32 $0x400, s22  }
0x10a: {  	[tilespmem:s22+$0xFFFFFF90] =	vst.add.f32.msk $0xffff, v0;
	p0 =	slt.u32 s23, $0xF8  }
0x10b: {  	[tilespmem:s22+$0x0] =	vst.add.f32.msk $0xffff, v0  }
.Ltmp12:
0x10c: {  	[tilespmem:s22+$0xFFFFFFF0] =	vst.add.f32.msk $0xffff, v0;
	(pc) =	sbr.rel @p0 .LBB2_27-.Ltmp12, $4  }
0x10d: {  	[tilespmem:s22+$0xFFFFFFE0] =	vst.add.f32.msk $0xffff, v0  }
0x10e: {  	[tilespmem:s22+$0xFFFFFFD0] =	vst.add.f32.msk $0xffff, v0  }
0x10f: {  	[tilespmem:s22+$0xFFFFFFC0] =	vst.add.f32.msk $0xffff, v0  }
0x110: {  	[tilespmem:s22+$0xFFFFFFB0] =	vst.add.f32.msk $0xffff, v0  }
0x111: {  	[tilespmem:s22+$0xFFFFFFA0] =	vst.add.f32.msk $0xffff, v0  }
0x112: {  	v0 =	vld [tilespmem:s21+$0x10050];
	_ =	sdelay $0x3  }
0x113: {  	s22 =	simm.s32 $0x82F0  }
0x114: {  	[tilespmem:s22+$0xFFFFFF90] =	vst.add.f32.msk $0xffff, v0  }
0x115: {  	[tilespmem:s22+$0x0] =	vst.add.f32.msk $0xffff, v0  }
0x116: {  	[tilespmem:s22+$0xFFFFFFF0] =	vst.add.f32.msk $0xffff, v0  }
0x117: {  	[tilespmem:s22+$0xFFFFFFE0] =	vst.add.f32.msk $0xffff, v0  }
0x118: {  	[tilespmem:s22+$0xFFFFFFD0] =	vst.add.f32.msk $0xffff, v0  }
0x119: {  	[tilespmem:s22+$0xFFFFFFC0] =	vst.add.f32.msk $0xffff, v0  }
0x11a: {  	s23 =	simm.s32 $0x0;
	[tilespmem:s22+$0xFFFFFFB0] =	vst.add.f32.msk $0xffff, v0  }
.LBB2_29:
0x11b: {  	s23 =	sadd.s32 $0x8, s23;
	[tilespmem:s22+$0xFFFFFFA0] =	vst.add.f32.msk $0xffff, v0;
	s22 =	sadd.s32 $0x400, s22  }
0x11c: {  	[tilespmem:s22+$0xFFFFFF90] =	vst.add.f32.msk $0xffff, v0;
	p0 =	slt.u32 s23, $0xF8  }
0x11d: {  	[tilespmem:s22+$0x0] =	vst.add.f32.msk $0xffff, v0  }
.Ltmp13:
0x11e: {  	[tilespmem:s22+$0xFFFFFFF0] =	vst.add.f32.msk $0xffff, v0;
	(pc) =	sbr.rel @p0 .LBB2_29-.Ltmp13, $4  }
0x11f: {  	[tilespmem:s22+$0xFFFFFFE0] =	vst.add.f32.msk $0xffff, v0  }
0x120: {  	[tilespmem:s22+$0xFFFFFFD0] =	vst.add.f32.msk $0xffff, v0  }
0x121: {  	[tilespmem:s22+$0xFFFFFFC0] =	vst.add.f32.msk $0xffff, v0  }
0x122: {  	[tilespmem:s22+$0xFFFFFFB0] =	vst.add.f32.msk $0xffff, v0  }
0x123: {  	[tilespmem:s22+$0xFFFFFFA0] =	vst.add.f32.msk $0xffff, v0  }
0x124: {  	v0 =	vld [tilespmem:s21+$0x10060];
	_ =	sdelay $0x3  }
0x125: {  	s22 =	simm.s32 $0x8370  }
0x126: {  	[tilespmem:s22+$0xFFFFFF90] =	vst.add.f32.msk $0xffff, v0  }
0x127: {  	[tilespmem:s22+$0x0] =	vst.add.f32.msk $0xffff, v0  }
0x128: {  	[tilespmem:s22+$0xFFFFFFF0] =	vst.add.f32.msk $0xffff, v0  }
0x129: {  	[tilespmem:s22+$0xFFFFFFE0] =	vst.add.f32.msk $0xffff, v0  }
0x12a: {  	[tilespmem:s22+$0xFFFFFFD0] =	vst.add.f32.msk $0xffff, v0  }
0x12b: {  	[tilespmem:s22+$0xFFFFFFC0] =	vst.add.f32.msk $0xffff, v0  }
0x12c: {  	s23 =	simm.s32 $0x0;
	[tilespmem:s22+$0xFFFFFFB0] =	vst.add.f32.msk $0xffff, v0  }
.LBB2_31:
0x12d: {  	s23 =	sadd.s32 $0x8, s23;
	[tilespmem:s22+$0xFFFFFFA0] =	vst.add.f32.msk $0xffff, v0;
	s22 =	sadd.s32 $0x400, s22  }
0x12e: {  	[tilespmem:s22+$0xFFFFFF90] =	vst.add.f32.msk $0xffff, v0;
	p0 =	slt.u32 s23, $0xF8  }
0x12f: {  	[tilespmem:s22+$0x0] =	vst.add.f32.msk $0xffff, v0  }
.Ltmp14:
0x130: {  	[tilespmem:s22+$0xFFFFFFF0] =	vst.add.f32.msk $0xffff, v0;
	(pc) =	sbr.rel @p0 .LBB2_31-.Ltmp14, $4  }
0x131: {  	[tilespmem:s22+$0xFFFFFFE0] =	vst.add.f32.msk $0xffff, v0  }
0x132: {  	[tilespmem:s22+$0xFFFFFFD0] =	vst.add.f32.msk $0xffff, v0  }
0x133: {  	[tilespmem:s22+$0xFFFFFFC0] =	vst.add.f32.msk $0xffff, v0  }
0x134: {  	[tilespmem:s22+$0xFFFFFFB0] =	vst.add.f32.msk $0xffff, v0  }
0x135: {  	[tilespmem:s22+$0xFFFFFFA0] =	vst.add.f32.msk $0xffff, v0  }
0x136: {  	v0 =	vld [tilespmem:s21+$0x10070];
	_ =	sdelay $0x3  }
0x137: {  	s21 =	simm.s32 $0x83F0  }
0x138: {  	[tilespmem:s21+$0xFFFFFF90] =	vst.add.f32.msk $0xffff, v0  }
0x139: {  	[tilespmem:s21+$0x0] =	vst.add.f32.msk $0xffff, v0  }
0x13a: {  	[tilespmem:s21+$0xFFFFFFF0] =	vst.add.f32.msk $0xffff, v0  }
0x13b: {  	[tilespmem:s21+$0xFFFFFFE0] =	vst.add.f32.msk $0xffff, v0  }
0x13c: {  	[tilespmem:s21+$0xFFFFFFD0] =	vst.add.f32.msk $0xffff, v0  }
0x13d: {  	[tilespmem:s21+$0xFFFFFFC0] =	vst.add.f32.msk $0xffff, v0  }
0x13e: {  	s22 =	simm.s32 $0x0;
	[tilespmem:s21+$0xFFFFFFB0] =	vst.add.f32.msk $0xffff, v0  }
.LBB2_33:
0x13f: {  	s22 =	sadd.s32 $0x8, s22;
	[tilespmem:s21+$0xFFFFFFA0] =	vst.add.f32.msk $0xffff, v0;
	s21 =	sadd.s32 $0x400, s21  }
0x140: {  	[tilespmem:s21+$0xFFFFFF90] =	vst.add.f32.msk $0xffff, v0;
	p0 =	slt.u32 s22, $0xF8  }
0x141: {  	[tilespmem:s21+$0x0] =	vst.add.f32.msk $0xffff, v0  }
.Ltmp15:
0x142: {  	[tilespmem:s21+$0xFFFFFFF0] =	vst.add.f32.msk $0xffff, v0;
	(pc) =	sbr.rel @p0 .LBB2_33-.Ltmp15, $4  }
0x143: {  	[tilespmem:s21+$0xFFFFFFE0] =	vst.add.f32.msk $0xffff, v0  }
0x144: {  	[tilespmem:s21+$0xFFFFFFD0] =	vst.add.f32.msk $0xffff, v0  }
0x145: {  	[tilespmem:s21+$0xFFFFFFC0] =	vst.add.f32.msk $0xffff, v0  }
0x146: {  	[tilespmem:s21+$0xFFFFFFB0] =	vst.add.f32.msk $0xffff, v0  }
0x147: {  	s19 =	sadd.s32 $0x1, s19  }
0x148: {  	p0 =	sne.s32 s19, $0x19  }
.Ltmp16:
0x149: {  	_ = 	snop;
	(pc) =	sbr.rel @p0 .LBB2_2-.Ltmp16, $3  }
0x14a: {  	_ =	sdelay $0x1  }
0x14b: {  	[tilespmem:s21+$0xFFFFFFA0] =	vst.add.f32.msk $0xffff, v0;
	s20 =	sadd.s32 s3, s20  }
0x14c: {  	[hbm4b:s20+s4] =	stream.linear.scatter [tilespmem:s13], [sflag:$0x4], $0x8000, $0x38;
	[tilespmem:$0x11900] =	vst v63  }
0x14d: {  	s18 =	sadd.s32 $0x1, s18  }
0x14e: {  	p0 =	sne.s32 s18, s10  }
.Ltmp17:
0x14f: {  	_ = 	snop;
	(pc) =	sbr.rel @p0 .LBB2_1-.Ltmp17, $4  }
0x150: {  	_ = 	snop  }
0x151: {  	_ =	swait.ge [sflag:s17], $0x8000  }
0x152: {  	[sflag:s17] =	ssyncset.done $0x0  }
0x153: {  	[sflag:s17] =	ssyncadd.s32 $0xFFFF8000  }
0x154: {  	_ =	sfence.sel $0x180000  }
0x155: {  	[bflag:$0x0] =	sbarrier.arrive $0xFFFF  }
0x156: {  	p0 =	sne.s32 s0, $0x0;
	_ =	strace $0x90000047  }
0x157: {  	s0 =	sadd.s32 @!p0 $0x100000, s2;
	[bflag:$0x2] =	sbarrier.arrive $0xFFFF  }
0x158: {  	[sflag:s0] =	ssyncadd.tile.s32 @!p0 $0x1;
	_ =	shalt  }
.Lfunc_end2:
_tile_overlayer_lowered:
.L_overlay_start_2:
0x159: {  	(tag) =	ssettag $0x2  }
0x15a: {  	s0 =	rddreg [dreg:$0x0];
	s2 =	stileid.u32  }
0x15b: {  	s1 =	rddreg [dreg:$0x1];
	p0 =	sne.s32 s2, $0x0  }
0x15c: {  	s3 =	rddreg [dreg:$0x2];
	[bflag:$0x3] =	sbarrier.arrive $0xFFFF;
	s2 =	simm.s32 @!p0 $0x1C05  }
0x15d: {  	[timem:s3], [sflag:s2] =	dma.local @!p0 [hbm:s0], s1  }
0x15e: {  	s0 =	simm.s32 @!p0 $0x5  }
0x15f: {  	_ =	swait.ge @!p0 [sflag:s0], s1  }
0x160: {  	s1 =	ssub.s32 @!p0 $0x0, s1;
	[sflag:s0] =	ssyncset.done @!p0 $0x0  }
0x161: {  	[sflag:s0] =	ssyncadd.s32 @!p0 s1  }
0x162: {  	[bflag:$0x3] =	sbarrier.arrive $0xFFFF  }
0x163: {  	_ =	shalt  }

</sc_bundles>
